<compile_context>
chip_gen: v7x
topology: tpu7x:2x2x1
jax: 0.10.2.dev20260603
libtpu: 0.0.44.dev20260713+nightly
codegen_flags: <defaults>
</compile_context>

<pallas_src>
import jax
import jax.numpy as jnp
from jax import lax
from jax.experimental import pallas as pl
from jax.experimental.pallas import tpu as pltpu
from jax.experimental.pallas import tpu_sc as plsc

N_NODES = 10000
D = 128
DH = D // 2
N_EDGES = 320000

NC = 2
NS = 16
CHUNK = 128
EDGES_PER_T = N_EDGES // NS
FULL_CHUNKS = EDGES_PER_T // CHUNK
TAIL = EDGES_PER_T - FULL_CHUNKS * CHUNK
AGG_ROWS = 10240
ZROWS = AGG_ROWS // NS
NBUF = 6
GLA = 4


def _seg_sum_body(xs_hbm, src_hbm, dst_hbm, zeros_hbm, out_hbm,
                  src_v, dst_v, rows, agg, gsem, ssem):
    c = lax.axis_index("c")
    s = lax.axis_index("s")
    x_hbm = xs_hbm.at[c]

    pltpu.sync_copy(src_hbm.at[s], src_v)
    pltpu.sync_copy(dst_hbm.at[s], dst_v)

    pltpu.sync_copy(zeros_hbm, rows[0])
    for k in range(ZROWS // CHUNK):
        pltpu.sync_copy(rows[0], agg.at[pl.ds(s * ZROWS + k * CHUNK, CHUNK)])
    plsc.subcore_barrier()

    def _idx(v, j):
        return v.at[pl.ds(j * CHUNK, CHUNK)]

    def _gather(j, b):
        pltpu.make_async_copy(x_hbm.at[_idx(src_v, j)], rows[b],
                              gsem[b]).start()

    def _drain(sem, b):
        pltpu.make_async_copy(zeros_hbm, rows[b], sem).wait()

    for b in range(GLA):
        _gather(b, b)

    def body(g, carry):
        for i in range(NBUF):
            j = g * NBUF + i
            _drain(gsem[i], i)
            pltpu.async_copy(rows[i], agg.at[_idx(dst_v, j)], ssem[i],
                             add=True)

            bn = (i + GLA) % NBUF

            @pl.when(j + GLA < FULL_CHUNKS)
            def _():
                @pl.when(j >= NBUF - GLA)
                def _():
                    _drain(ssem[bn], bn)
                _gather(j + GLA, bn)

        return carry

    lax.fori_loop(0, FULL_CHUNKS // NBUF, body, 0)

    for b in range(NBUF):
        _drain(ssem[b], b)

    toff = FULL_CHUNKS * CHUNK
    pltpu.make_async_copy(x_hbm.at[src_v.at[pl.ds(toff, TAIL)]],
                          rows[0].at[pl.ds(0, TAIL)], gsem[0]).start()
    pltpu.make_async_copy(x_hbm.at[src_v.at[pl.ds(toff, TAIL)]],
                          rows[0].at[pl.ds(0, TAIL)], gsem[0]).wait()
    pltpu.sync_copy(rows[0].at[pl.ds(0, TAIL)],
                    agg.at[dst_v.at[pl.ds(toff, TAIL)]], add=True)
    plsc.subcore_barrier()

    pltpu.sync_copy(agg.at[pl.ds(s * ZROWS, ZROWS)],
                    out_hbm.at[c].at[pl.ds(s * ZROWS, ZROWS)])


def _seg_sum(xs, src_r, dst_r, zeros):
    f = pl.kernel(
        _seg_sum_body,
        out_type=jax.ShapeDtypeStruct((NC, AGG_ROWS, DH), jnp.float32),
        mesh=plsc.VectorSubcoreMesh(core_axis_name="c", subcore_axis_name="s"),
        compiler_params=pltpu.CompilerParams(use_tc_tiling_on_sc=False),
        scratch_types=[
            pltpu.VMEM((EDGES_PER_T,), jnp.int32),
            pltpu.VMEM((EDGES_PER_T,), jnp.int32),
            [pltpu.VMEM((CHUNK, DH), jnp.float32) for _ in range(NBUF)],
            pltpu.VMEM_SHARED((AGG_ROWS, DH), jnp.float32),
            [pltpu.SemaphoreType.DMA for _ in range(NBUF)],
            [pltpu.SemaphoreType.DMA for _ in range(NBUF)],
        ],
    )
    return f(xs, src_r, dst_r, zeros)


BR = 2000


def _cat(a_ref):
    return jnp.concatenate([a_ref[0], a_ref[1]], axis=1)


def _tc1_body(scale_ref, x_ref, a_ref, w1_ref, b1_ref, w2_ref, b2_ref, o_ref):
    h = x_ref[...] * scale_ref[0, 0] + _cat(a_ref)
    t = jnp.maximum(
        jnp.dot(h, w1_ref[...], preferred_element_type=jnp.float32)
        + b1_ref[...], 0.0)
    t = jnp.dot(t, w2_ref[...], preferred_element_type=jnp.float32) + b2_ref[...]
    t = jnp.maximum(t, 0.0)
    o_ref[0] = t[:, :DH]
    o_ref[1] = t[:, DH:]


def _tc2_body(scale_ref, x_ref, a_ref, w1_ref, b1_ref, w2_ref, b2_ref,
              wm1_ref, bm1_ref, wm2_ref, bm2_ref, o_ref):
    h = _cat(x_ref) * scale_ref[0, 0] + _cat(a_ref)
    t = jnp.maximum(
        jnp.dot(h, w1_ref[...], preferred_element_type=jnp.float32)
        + b1_ref[...], 0.0)
    t = jnp.dot(t, w2_ref[...], preferred_element_type=jnp.float32) + b2_ref[...]
    t = jnp.maximum(t, 0.0)
    t = jnp.maximum(
        jnp.dot(t, wm1_ref[...], preferred_element_type=jnp.float32)
        + bm1_ref[...], 0.0)
    o_ref[...] = (jnp.dot(t, wm2_ref[...], preferred_element_type=jnp.float32)
                  + bm2_ref[...])


def _row_spec():
    return pl.BlockSpec((BR, D), lambda i: (i, 0))


def _split_spec():
    return pl.BlockSpec((NC, BR, DH), lambda i: (0, i, 0))


def _full_spec(shape):
    return pl.BlockSpec(shape, lambda i: tuple(0 for _ in shape))


def _tc_stage(body, scale, x, x_spec, agg, weights, out_shape, out_spec):
    in_specs = ([_full_spec((1, 1)), x_spec, _split_spec()]
                + [_full_spec(w.shape) for w in weights])
    return pl.pallas_call(
        body,
        grid=(N_NODES // BR,),
        in_specs=in_specs,
        out_specs=out_spec,
        out_shape=out_shape,
    )(scale, x, agg, *weights)


def kernel(x, edge_index, eps1, W11, b11, W12, b12, eps2, W21, b21, W22, b22,
           Wm1, bm1, Wm2, bm2):
    ei = edge_index.astype(jnp.int32)
    src_r = ei[0].reshape(NS, EDGES_PER_T)
    dst_r = ei[1].reshape(NS, EDGES_PER_T)
    zeros = jnp.zeros((CHUNK, DH), jnp.float32)

    scale1 = jnp.reshape(1.0 + eps1, (1, 1)).astype(jnp.float32)
    scale2 = jnp.reshape(1.0 + eps2, (1, 1)).astype(jnp.float32)
    b11r, b12r = b11.reshape(1, D), b12.reshape(1, D)
    b21r, b22r = b21.reshape(1, D), b22.reshape(1, D)
    bm1r, bm2r = bm1.reshape(1, D), bm2.reshape(1, D)

    xs = jnp.stack([x[:, :DH], x[:, DH:]])
    agg1 = _seg_sum(xs, src_r, dst_r, zeros)
    h1s = _tc_stage(_tc1_body, scale1, x, _row_spec(), agg1,
                    [W11, b11r, W12, b12r],
                    jax.ShapeDtypeStruct((NC, N_NODES, DH), jnp.float32),
                    _split_spec())
    agg2 = _seg_sum(h1s, src_r, dst_r, zeros)
    out = _tc_stage(_tc2_body, scale2, h1s, _split_spec(), agg2,
                    [W21, b21r, W22, b22r, Wm1, bm1r, Wm2, bm2r],
                    jax.ShapeDtypeStruct((N_NODES, D), jnp.float32),
                    _row_spec())
    return out

# --- scband reference (transcript-rebuilt; emitter-appended) ---
"""Pipeline reference for scband-gin-82111184765292 (READ-ONLY COPY).

The authoritative reference and input builder live on the scoring server;
editing this copy changes nothing except your own understanding.
"""

import jax, jax.numpy as jnp
import numpy as np

N_NODES = 10000
N_EDGES = 320000
D = 128

def setup_inputs(seed: int = 0) -> dict:
    key = jax.random.key(seed)
    ks = jax.random.split(key, 16)
    x = jax.random.normal(ks[0], (N_NODES, D), dtype=jnp.float32)
    edge_index = jax.random.randint(ks[1], (2, N_EDGES), 0, N_NODES, dtype=jnp.int64)
    s = 1.0 / np.sqrt(D)
    # GINConv 1 MLP (fun_num_layers=2: in->hid->hid)
    W11 = jax.random.uniform(ks[2], (D, D), jnp.float32, -s, s)
    b11 = jax.random.uniform(ks[3], (D,), jnp.float32, -s, s)
    W12 = jax.random.uniform(ks[4], (D, D), jnp.float32, -s, s)
    b12 = jax.random.uniform(ks[5], (D,), jnp.float32, -s, s)
    eps1 = jnp.zeros((), dtype=jnp.float32)  # init_eps=0, learn_eps=True
    # GINConv 2 MLP (hid->hid->out)
    W21 = jax.random.uniform(ks[6], (D, D), jnp.float32, -s, s)
    b21 = jax.random.uniform(ks[7], (D,), jnp.float32, -s, s)
    W22 = jax.random.uniform(ks[8], (D, D), jnp.float32, -s, s)
    b22 = jax.random.uniform(ks[9], (D,), jnp.float32, -s, s)
    eps2 = jnp.zeros((), dtype=jnp.float32)
    # Final MLP (num_layers=2: input_dim->hidden_dim->output_dim)
    Wm1 = jax.random.uniform(ks[10], (D, D), jnp.float32, -s, s)
    bm1 = jax.random.uniform(ks[11], (D,), jnp.float32, -s, s)
    Wm2 = jax.random.uniform(ks[12], (D, D), jnp.float32, -s, s)
    bm2 = jax.random.uniform(ks[13], (D,), jnp.float32, -s, s)
    return {"x": x, "edge_index": edge_index,
            "eps1": eps1, "W11": W11, "b11": b11, "W12": W12, "b12": b12,
            "eps2": eps2, "W21": W21, "b21": b21, "W22": W22, "b22": b22,
            "Wm1": Wm1, "bm1": bm1, "Wm2": Wm2, "bm2": bm2}

def _mlp2(h, W1, b1, W2, b2):
    h = jnp.maximum(h @ W1 + b1, 0.0)
    return h @ W2 + b2

def _gin_conv(x, edge_index, eps, W1, b1, W2, b2):
    # sum aggregator: agg[dst] += x[src]
    src = edge_index[0]
    dst = edge_index[1]
    msgs = jnp.take(x, src, axis=0)
    agg = jax.ops.segment_sum(msgs, dst, num_segments=x.shape[0])
    h = (1.0 + eps) * x + agg
    return _mlp2(h, W1, b1, W2, b2)

def reference(x, edge_index, eps1, W11, b11, W12, b12, eps2, W21, b21, W22, b22, Wm1, bm1, Wm2, bm2):
    h = _gin_conv(x, edge_index, eps1, W11, b11, W12, b12)
    h = jnp.maximum(h, 0.0)
    # dropout(p=0.5, training=self.training) -> identity in eval mode
    h = _gin_conv(h, edge_index, eps2, W21, b21, W22, b22)
    h = jnp.maximum(h, 0.0)
    h = _mlp2(h, Wm1, bm1, Wm2, bm2)
    return h

if __name__ == "__main__":
    import jax
    _d = setup_inputs()
    print(jax.jit(kernel)(*tuple(_d.values())))

</pallas_src>

<mosaic_0001>
#map = affine_map<(d0, d1) -> (0, 0, 0)>
#map1 = affine_map<(d0, d1) -> (0, 0)>
module attributes {stable_mosaic.version = 14 : i64} {
  func.func @_seg_sum_body(%arg0: i32, %arg1: i32, %arg2: memref<2x10000x64xf32, #tpu.memory_space<hbm>>, %arg3: memref<16x20000xi32, #tpu.memory_space<hbm>>, %arg4: memref<16x20000xi32, #tpu.memory_space<hbm>>, %arg5: memref<128x64xf32, #tpu.memory_space<hbm>>, %arg6: memref<2x10240x64xf32, #tpu.memory_space<hbm>>, %arg7: memref<20000xi32, #tpu.memory_space<vmem>>, %arg8: memref<20000xi32, #tpu.memory_space<vmem>>, %arg9: memref<128x64xf32, #tpu.memory_space<vmem>>, %arg10: memref<128x64xf32, #tpu.memory_space<vmem>>, %arg11: memref<128x64xf32, #tpu.memory_space<vmem>>, %arg12: memref<128x64xf32, #tpu.memory_space<vmem>>, %arg13: memref<128x64xf32, #tpu.memory_space<vmem>>, %arg14: memref<128x64xf32, #tpu.memory_space<vmem>>, %arg15: memref<10240x64xf32, #tpu.memory_space<vmem_shared>>, %arg16: memref<!tpu.dma_semaphore, #tpu.memory_space<semaphore_mem>>, %arg17: memref<!tpu.dma_semaphore, #tpu.memory_space<semaphore_mem>>, %arg18: memref<!tpu.dma_semaphore, #tpu.memory_space<semaphore_mem>>, %arg19: memref<!tpu.dma_semaphore, #tpu.memory_space<semaphore_mem>>, %arg20: memref<!tpu.dma_semaphore, #tpu.memory_space<semaphore_mem>>, %arg21: memref<!tpu.dma_semaphore, #tpu.memory_space<semaphore_mem>>, %arg22: memref<!tpu.dma_semaphore, #tpu.memory_space<semaphore_mem>>, %arg23: memref<!tpu.dma_semaphore, #tpu.memory_space<semaphore_mem>>, %arg24: memref<!tpu.dma_semaphore, #tpu.memory_space<semaphore_mem>>, %arg25: memref<!tpu.dma_semaphore, #tpu.memory_space<semaphore_mem>>, %arg26: memref<!tpu.dma_semaphore, #tpu.memory_space<semaphore_mem>>, %arg27: memref<!tpu.dma_semaphore, #tpu.memory_space<semaphore_mem>>) attributes {dimension_semantics = [#tpu.dimension_semantics<core_parallel>, #tpu.dimension_semantics<subcore_parallel>], iteration_bounds = array<i64: 2, 16>, scalar_prefetch = 0 : i64, scratch_operands = 21 : i64, tpu.core_type = #tpu.core_type<sc_vector_subcore>, window_params = [{transform_indices = #map}, {transform_indices = #map1}, {transform_indices = #map1}, {transform_indices = #map1}, {transform_indices = #map}]} {
    "tpu.region"() ({
      %run_scoped3A = tpu.sem_alloc : memref<!tpu.dma_semaphore, #tpu.memory_space<semaphore_mem>>
      %dma_start3A_86 = arith.constant 0 : i32
      %dma_start3A_87 = tpu.memref_slice %arg3[%arg1, %dma_start3A_86] : memref<16x20000xi32, #tpu.memory_space<hbm>> -> memref<1x20000xi32, #tpu.memory_space<hbm>>
      %dma_start3A_88 = tpu.memref_squeeze %dma_start3A_87 : memref<1x20000xi32, #tpu.memory_space<hbm>> -> memref<20000xi32, #tpu.memory_space<hbm>>
      %dma_start3A_89 = arith.constant 0 : i32
      %dma_start3A_90 = tpu.memref_slice %arg3[%arg1, %dma_start3A_89] : memref<16x20000xi32, #tpu.memory_space<hbm>> -> memref<1x20000xi32, #tpu.memory_space<hbm>>
      %dma_start3A_91 = tpu.memref_squeeze %dma_start3A_90 : memref<1x20000xi32, #tpu.memory_space<hbm>> -> memref<20000xi32, #tpu.memory_space<hbm>>
      tpu.enqueue_dma source(%dma_start3A_91 : memref<20000xi32, #tpu.memory_space<hbm>>) target(%arg7 : memref<20000xi32, #tpu.memory_space<vmem>>) target_semaphore(%run_scoped3A : memref<!tpu.dma_semaphore, #tpu.memory_space<semaphore_mem>>)
      %dma_wait3A_92 = arith.constant 0 : i32
      %dma_wait3A_93 = tpu.memref_slice %arg3[%arg1, %dma_wait3A_92] : memref<16x20000xi32, #tpu.memory_space<hbm>> -> memref<1x20000xi32, #tpu.memory_space<hbm>>
      %dma_wait3A_94 = tpu.memref_squeeze %dma_wait3A_93 : memref<1x20000xi32, #tpu.memory_space<hbm>> -> memref<20000xi32, #tpu.memory_space<hbm>>
      %dma_wait3A_95 = arith.constant 0 : i32
      %dma_wait3A_96 = tpu.memref_slice %arg3[%arg1, %dma_wait3A_95] : memref<16x20000xi32, #tpu.memory_space<hbm>> -> memref<1x20000xi32, #tpu.memory_space<hbm>>
      %dma_wait3A_97 = tpu.memref_squeeze %dma_wait3A_96 : memref<1x20000xi32, #tpu.memory_space<hbm>> -> memref<20000xi32, #tpu.memory_space<hbm>>
      tpu.wait_dma2 semaphore(%run_scoped3A : memref<!tpu.dma_semaphore, #tpu.memory_space<semaphore_mem>>) src(%dma_wait3A_97 : memref<20000xi32, #tpu.memory_space<hbm>>) dst(%arg7 : memref<20000xi32, #tpu.memory_space<vmem>>)
      tpu.yield
    }) : () -> ()
    "tpu.region"() ({
      %run_scoped3A = tpu.sem_alloc : memref<!tpu.dma_semaphore, #tpu.memory_space<semaphore_mem>>
      %dma_start3A_86 = arith.constant 0 : i32
      %dma_start3A_87 = tpu.memref_slice %arg4[%arg1, %dma_start3A_86] : memref<16x20000xi32, #tpu.memory_space<hbm>> -> memref<1x20000xi32, #tpu.memory_space<hbm>>
      %dma_start3A_88 = tpu.memref_squeeze %dma_start3A_87 : memref<1x20000xi32, #tpu.memory_space<hbm>> -> memref<20000xi32, #tpu.memory_space<hbm>>
      %dma_start3A_89 = arith.constant 0 : i32
      %dma_start3A_90 = tpu.memref_slice %arg4[%arg1, %dma_start3A_89] : memref<16x20000xi32, #tpu.memory_space<hbm>> -> memref<1x20000xi32, #tpu.memory_space<hbm>>
      %dma_start3A_91 = tpu.memref_squeeze %dma_start3A_90 : memref<1x20000xi32, #tpu.memory_space<hbm>> -> memref<20000xi32, #tpu.memory_space<hbm>>
      tpu.enqueue_dma source(%dma_start3A_91 : memref<20000xi32, #tpu.memory_space<hbm>>) target(%arg8 : memref<20000xi32, #tpu.memory_space<vmem>>) target_semaphore(%run_scoped3A : memref<!tpu.dma_semaphore, #tpu.memory_space<semaphore_mem>>)
      %dma_wait3A_92 = arith.constant 0 : i32
      %dma_wait3A_93 = tpu.memref_slice %arg4[%arg1, %dma_wait3A_92] : memref<16x20000xi32, #tpu.memory_space<hbm>> -> memref<1x20000xi32, #tpu.memory_space<hbm>>
      %dma_wait3A_94 = tpu.memref_squeeze %dma_wait3A_93 : memref<1x20000xi32, #tpu.memory_space<hbm>> -> memref<20000xi32, #tpu.memory_space<hbm>>
      %dma_wait3A_95 = arith.constant 0 : i32
      %dma_wait3A_96 = tpu.memref_slice %arg4[%arg1, %dma_wait3A_95] : memref<16x20000xi32, #tpu.memory_space<hbm>> -> memref<1x20000xi32, #tpu.memory_space<hbm>>
      %dma_wait3A_97 = tpu.memref_squeeze %dma_wait3A_96 : memref<1x20000xi32, #tpu.memory_space<hbm>> -> memref<20000xi32, #tpu.memory_space<hbm>>
      tpu.wait_dma2 semaphore(%run_scoped3A : memref<!tpu.dma_semaphore, #tpu.memory_space<semaphore_mem>>) src(%dma_wait3A_97 : memref<20000xi32, #tpu.memory_space<hbm>>) dst(%arg8 : memref<20000xi32, #tpu.memory_space<vmem>>)
      tpu.yield
    }) : () -> ()
    "tpu.region"() ({
      %run_scoped3A = tpu.sem_alloc : memref<!tpu.dma_semaphore, #tpu.memory_space<semaphore_mem>>
      tpu.enqueue_dma source(%arg5 : memref<128x64xf32, #tpu.memory_space<hbm>>) target(%arg9 : memref<128x64xf32, #tpu.memory_space<vmem>>) target_semaphore(%run_scoped3A : memref<!tpu.dma_semaphore, #tpu.memory_space<semaphore_mem>>)
      tpu.wait_dma2 semaphore(%run_scoped3A : memref<!tpu.dma_semaphore, #tpu.memory_space<semaphore_mem>>) src(%arg5 : memref<128x64xf32, #tpu.memory_space<hbm>>) dst(%arg9 : memref<128x64xf32, #tpu.memory_space<vmem>>)
      tpu.yield
    }) : () -> ()
    %mul3A = arith.constant 640 : i32
    %mul3A_0 = arith.muli %arg1, %mul3A : i32
    %add3A = arith.constant 0 : i32
    %add3A_1 = arith.addi %mul3A_0, %add3A : i32
    "tpu.region"() ({
      %run_scoped3A = tpu.sem_alloc : memref<!tpu.dma_semaphore, #tpu.memory_space<semaphore_mem>>
      %dma_start3A_86 = arith.constant 0 : i32
      %dma_start3A_87 = tpu.memref_slice %arg15[%add3A_1, %dma_start3A_86] : memref<10240x64xf32, #tpu.memory_space<vmem_shared>> -> memref<128x64xf32, #tpu.memory_space<vmem_shared>>
      %dma_start3A_88 = arith.constant 0 : i32
      %dma_start3A_89 = tpu.memref_slice %arg15[%add3A_1, %dma_start3A_88] : memref<10240x64xf32, #tpu.memory_space<vmem_shared>> -> memref<128x64xf32, #tpu.memory_space<vmem_shared>>
      tpu.enqueue_dma source(%arg9 : memref<128x64xf32, #tpu.memory_space<vmem>>) target(%dma_start3A_89 : memref<128x64xf32, #tpu.memory_space<vmem_shared>>) target_semaphore(%run_scoped3A : memref<!tpu.dma_semaphore, #tpu.memory_space<semaphore_mem>>)
      %dma_wait3A_90 = arith.constant 0 : i32
      %dma_wait3A_91 = tpu.memref_slice %arg15[%add3A_1, %dma_wait3A_90] : memref<10240x64xf32, #tpu.memory_space<vmem_shared>> -> memref<128x64xf32, #tpu.memory_space<vmem_shared>>
      %dma_wait3A_92 = arith.constant 0 : i32
      %dma_wait3A_93 = tpu.memref_slice %arg15[%add3A_1, %dma_wait3A_92] : memref<10240x64xf32, #tpu.memory_space<vmem_shared>> -> memref<128x64xf32, #tpu.memory_space<vmem_shared>>
      tpu.wait_dma2 semaphore(%run_scoped3A : memref<!tpu.dma_semaphore, #tpu.memory_space<semaphore_mem>>) src(%arg9 : memref<128x64xf32, #tpu.memory_space<vmem>>) dst(%dma_wait3A_93 : memref<128x64xf32, #tpu.memory_space<vmem_shared>>)
      tpu.yield
    }) : () -> ()
    %mul3A_2 = arith.constant 640 : i32
    %mul3A_3 = arith.muli %arg1, %mul3A_2 : i32
    %add3A_4 = arith.constant 128 : i32
    %add3A_5 = arith.addi %mul3A_3, %add3A_4 : i32
    "tpu.region"() ({
      %run_scoped3A = tpu.sem_alloc : memref<!tpu.dma_semaphore, #tpu.memory_space<semaphore_mem>>
      %dma_start3A_86 = arith.constant 0 : i32
      %dma_start3A_87 = tpu.memref_slice %arg15[%add3A_5, %dma_start3A_86] : memref<10240x64xf32, #tpu.memory_space<vmem_shared>> -> memref<128x64xf32, #tpu.memory_space<vmem_shared>>
      %dma_start3A_88 = arith.constant 0 : i32
      %dma_start3A_89 = tpu.memref_slice %arg15[%add3A_5, %dma_start3A_88] : memref<10240x64xf32, #tpu.memory_space<vmem_shared>> -> memref<128x64xf32, #tpu.memory_space<vmem_shared>>
      tpu.enqueue_dma source(%arg9 : memref<128x64xf32, #tpu.memory_space<vmem>>) target(%dma_start3A_89 : memref<128x64xf32, #tpu.memory_space<vmem_shared>>) target_semaphore(%run_scoped3A : memref<!tpu.dma_semaphore, #tpu.memory_space<semaphore_mem>>)
      %dma_wait3A_90 = arith.constant 0 : i32
      %dma_wait3A_91 = tpu.memref_slice %arg15[%add3A_5, %dma_wait3A_90] : memref<10240x64xf32, #tpu.memory_space<vmem_shared>> -> memref<128x64xf32, #tpu.memory_space<vmem_shared>>
      %dma_wait3A_92 = arith.constant 0 : i32
      %dma_wait3A_93 = tpu.memref_slice %arg15[%add3A_5, %dma_wait3A_92] : memref<10240x64xf32, #tpu.memory_space<vmem_shared>> -> memref<128x64xf32, #tpu.memory_space<vmem_shared>>
      tpu.wait_dma2 semaphore(%run_scoped3A : memref<!tpu.dma_semaphore, #tpu.memory_space<semaphore_mem>>) src(%arg9 : memref<128x64xf32, #tpu.memory_space<vmem>>) dst(%dma_wait3A_93 : memref<128x64xf32, #tpu.memory_space<vmem_shared>>)
      tpu.yield
    }) : () -> ()
    %mul3A_6 = arith.constant 640 : i32
    %mul3A_7 = arith.muli %arg1, %mul3A_6 : i32
    %add3A_8 = arith.constant 256 : i32
    %add3A_9 = arith.addi %mul3A_7, %add3A_8 : i32
    "tpu.region"() ({
      %run_scoped3A = tpu.sem_alloc : memref<!tpu.dma_semaphore, #tpu.memory_space<semaphore_mem>>
      %dma_start3A_86 = arith.constant 0 : i32
      %dma_start3A_87 = tpu.memref_slice %arg15[%add3A_9, %dma_start3A_86] : memref<10240x64xf32, #tpu.memory_space<vmem_shared>> -> memref<128x64xf32, #tpu.memory_space<vmem_shared>>
      %dma_start3A_88 = arith.constant 0 : i32
      %dma_start3A_89 = tpu.memref_slice %arg15[%add3A_9, %dma_start3A_88] : memref<10240x64xf32, #tpu.memory_space<vmem_shared>> -> memref<128x64xf32, #tpu.memory_space<vmem_shared>>
      tpu.enqueue_dma source(%arg9 : memref<128x64xf32, #tpu.memory_space<vmem>>) target(%dma_start3A_89 : memref<128x64xf32, #tpu.memory_space<vmem_shared>>) target_semaphore(%run_scoped3A : memref<!tpu.dma_semaphore, #tpu.memory_space<semaphore_mem>>)
      %dma_wait3A_90 = arith.constant 0 : i32
      %dma_wait3A_91 = tpu.memref_slice %arg15[%add3A_9, %dma_wait3A_90] : memref<10240x64xf32, #tpu.memory_space<vmem_shared>> -> memref<128x64xf32, #tpu.memory_space<vmem_shared>>
      %dma_wait3A_92 = arith.constant 0 : i32
      %dma_wait3A_93 = tpu.memref_slice %arg15[%add3A_9, %dma_wait3A_92] : memref<10240x64xf32, #tpu.memory_space<vmem_shared>> -> memref<128x64xf32, #tpu.memory_space<vmem_shared>>
      tpu.wait_dma2 semaphore(%run_scoped3A : memref<!tpu.dma_semaphore, #tpu.memory_space<semaphore_mem>>) src(%arg9 : memref<128x64xf32, #tpu.memory_space<vmem>>) dst(%dma_wait3A_93 : memref<128x64xf32, #tpu.memory_space<vmem_shared>>)
      tpu.yield
    }) : () -> ()
    %mul3A_10 = arith.constant 640 : i32
    %mul3A_11 = arith.muli %arg1, %mul3A_10 : i32
    %add3A_12 = arith.constant 384 : i32
    %add3A_13 = arith.addi %mul3A_11, %add3A_12 : i32
    "tpu.region"() ({
      %run_scoped3A = tpu.sem_alloc : memref<!tpu.dma_semaphore, #tpu.memory_space<semaphore_mem>>
      %dma_start3A_86 = arith.constant 0 : i32
      %dma_start3A_87 = tpu.memref_slice %arg15[%add3A_13, %dma_start3A_86] : memref<10240x64xf32, #tpu.memory_space<vmem_shared>> -> memref<128x64xf32, #tpu.memory_space<vmem_shared>>
      %dma_start3A_88 = arith.constant 0 : i32
      %dma_start3A_89 = tpu.memref_slice %arg15[%add3A_13, %dma_start3A_88] : memref<10240x64xf32, #tpu.memory_space<vmem_shared>> -> memref<128x64xf32, #tpu.memory_space<vmem_shared>>
      tpu.enqueue_dma source(%arg9 : memref<128x64xf32, #tpu.memory_space<vmem>>) target(%dma_start3A_89 : memref<128x64xf32, #tpu.memory_space<vmem_shared>>) target_semaphore(%run_scoped3A : memref<!tpu.dma_semaphore, #tpu.memory_space<semaphore_mem>>)
      %dma_wait3A_90 = arith.constant 0 : i32
      %dma_wait3A_91 = tpu.memref_slice %arg15[%add3A_13, %dma_wait3A_90] : memref<10240x64xf32, #tpu.memory_space<vmem_shared>> -> memref<128x64xf32, #tpu.memory_space<vmem_shared>>
      %dma_wait3A_92 = arith.constant 0 : i32
      %dma_wait3A_93 = tpu.memref_slice %arg15[%add3A_13, %dma_wait3A_92] : memref<10240x64xf32, #tpu.memory_space<vmem_shared>> -> memref<128x64xf32, #tpu.memory_space<vmem_shared>>
      tpu.wait_dma2 semaphore(%run_scoped3A : memref<!tpu.dma_semaphore, #tpu.memory_space<semaphore_mem>>) src(%arg9 : memref<128x64xf32, #tpu.memory_space<vmem>>) dst(%dma_wait3A_93 : memref<128x64xf32, #tpu.memory_space<vmem_shared>>)
      tpu.yield
    }) : () -> ()
    %mul3A_14 = arith.constant 640 : i32
    %mul3A_15 = arith.muli %arg1, %mul3A_14 : i32
    %add3A_16 = arith.constant 512 : i32
    %add3A_17 = arith.addi %mul3A_15, %add3A_16 : i32
    "tpu.region"() ({
      %run_scoped3A = tpu.sem_alloc : memref<!tpu.dma_semaphore, #tpu.memory_space<semaphore_mem>>
      %dma_start3A_86 = arith.constant 0 : i32
      %dma_start3A_87 = tpu.memref_slice %arg15[%add3A_17, %dma_start3A_86] : memref<10240x64xf32, #tpu.memory_space<vmem_shared>> -> memref<128x64xf32, #tpu.memory_space<vmem_shared>>
      %dma_start3A_88 = arith.constant 0 : i32
      %dma_start3A_89 = tpu.memref_slice %arg15[%add3A_17, %dma_start3A_88] : memref<10240x64xf32, #tpu.memory_space<vmem_shared>> -> memref<128x64xf32, #tpu.memory_space<vmem_shared>>
      tpu.enqueue_dma source(%arg9 : memref<128x64xf32, #tpu.memory_space<vmem>>) target(%dma_start3A_89 : memref<128x64xf32, #tpu.memory_space<vmem_shared>>) target_semaphore(%run_scoped3A : memref<!tpu.dma_semaphore, #tpu.memory_space<semaphore_mem>>)
      %dma_wait3A_90 = arith.constant 0 : i32
      %dma_wait3A_91 = tpu.memref_slice %arg15[%add3A_17, %dma_wait3A_90] : memref<10240x64xf32, #tpu.memory_space<vmem_shared>> -> memref<128x64xf32, #tpu.memory_space<vmem_shared>>
      %dma_wait3A_92 = arith.constant 0 : i32
      %dma_wait3A_93 = tpu.memref_slice %arg15[%add3A_17, %dma_wait3A_92] : memref<10240x64xf32, #tpu.memory_space<vmem_shared>> -> memref<128x64xf32, #tpu.memory_space<vmem_shared>>
      tpu.wait_dma2 semaphore(%run_scoped3A : memref<!tpu.dma_semaphore, #tpu.memory_space<semaphore_mem>>) src(%arg9 : memref<128x64xf32, #tpu.memory_space<vmem>>) dst(%dma_wait3A_93 : memref<128x64xf32, #tpu.memory_space<vmem_shared>>)
      tpu.yield
    }) : () -> ()
    %barrier3A = arith.constant 0 : index
    tpu.barrier barrier_id(%barrier3A)
    %dma_start3A = arith.constant 0 : i32
    %dma_start3A_18 = tpu.memref_slice %arg7[%dma_start3A] : memref<20000xi32, #tpu.memory_space<vmem>> -> memref<128xi32, #tpu.memory_space<vmem>>
    %dma_start3A_19 = arith.constant 0 : i32
    %dma_start3A_20 = arith.constant 0 : i32
    %dma_start3A_21 = tpu.memref_slice %arg2[%arg0, %dma_start3A_19, %dma_start3A_20] : memref<2x10000x64xf32, #tpu.memory_space<hbm>> -> memref<1x10000x64xf32, #tpu.memory_space<hbm>>
    %dma_start3A_22 = tpu.memref_squeeze %dma_start3A_21 : memref<1x10000x64xf32, #tpu.memory_space<hbm>> -> memref<10000x64xf32, #tpu.memory_space<hbm>>
    %dma_start3A_23 = arith.constant 0 : i32
    %dma_start3A_24 = arith.constant 0 : i32
    %dma_start3A_25 = tpu.memref_slice %dma_start3A_22[%dma_start3A_23, %dma_start3A_24] : memref<10000x64xf32, #tpu.memory_space<hbm>> -> memref<10000x64xf32, #tpu.memory_space<hbm>>
    tpu.enqueue_indirect_dma source(%dma_start3A_25 : memref<10000x64xf32, #tpu.memory_space<hbm>>) target(%arg9 : memref<128x64xf32, #tpu.memory_space<vmem>>) offsets(%dma_start3A_18 : memref<128xi32, #tpu.memory_space<vmem>>) semaphore(%arg16 : memref<!tpu.dma_semaphore, #tpu.memory_space<semaphore_mem>>)
    %dma_start3A_26 = arith.constant 128 : i32
    %dma_start3A_27 = tpu.memref_slice %arg7[%dma_start3A_26] : memref<20000xi32, #tpu.memory_space<vmem>> -> memref<128xi32, #tpu.memory_space<vmem>>
    %dma_start3A_28 = arith.constant 0 : i32
    %dma_start3A_29 = arith.constant 0 : i32
    %dma_start3A_30 = tpu.memref_slice %arg2[%arg0, %dma_start3A_28, %dma_start3A_29] : memref<2x10000x64xf32, #tpu.memory_space<hbm>> -> memref<1x10000x64xf32, #tpu.memory_space<hbm>>
    %dma_start3A_31 = tpu.memref_squeeze %dma_start3A_30 : memref<1x10000x64xf32, #tpu.memory_space<hbm>> -> memref<10000x64xf32, #tpu.memory_space<hbm>>
    %dma_start3A_32 = arith.constant 0 : i32
    %dma_start3A_33 = arith.constant 0 : i32
    %dma_start3A_34 = tpu.memref_slice %dma_start3A_31[%dma_start3A_32, %dma_start3A_33] : memref<10000x64xf32, #tpu.memory_space<hbm>> -> memref<10000x64xf32, #tpu.memory_space<hbm>>
    tpu.enqueue_indirect_dma source(%dma_start3A_34 : memref<10000x64xf32, #tpu.memory_space<hbm>>) target(%arg10 : memref<128x64xf32, #tpu.memory_space<vmem>>) offsets(%dma_start3A_27 : memref<128xi32, #tpu.memory_space<vmem>>) semaphore(%arg17 : memref<!tpu.dma_semaphore, #tpu.memory_space<semaphore_mem>>)
    %dma_start3A_35 = arith.constant 256 : i32
    %dma_start3A_36 = tpu.memref_slice %arg7[%dma_start3A_35] : memref<20000xi32, #tpu.memory_space<vmem>> -> memref<128xi32, #tpu.memory_space<vmem>>
    %dma_start3A_37 = arith.constant 0 : i32
    %dma_start3A_38 = arith.constant 0 : i32
    %dma_start3A_39 = tpu.memref_slice %arg2[%arg0, %dma_start3A_37, %dma_start3A_38] : memref<2x10000x64xf32, #tpu.memory_space<hbm>> -> memref<1x10000x64xf32, #tpu.memory_space<hbm>>
    %dma_start3A_40 = tpu.memref_squeeze %dma_start3A_39 : memref<1x10000x64xf32, #tpu.memory_space<hbm>> -> memref<10000x64xf32, #tpu.memory_space<hbm>>
    %dma_start3A_41 = arith.constant 0 : i32
    %dma_start3A_42 = arith.constant 0 : i32
    %dma_start3A_43 = tpu.memref_slice %dma_start3A_40[%dma_start3A_41, %dma_start3A_42] : memref<10000x64xf32, #tpu.memory_space<hbm>> -> memref<10000x64xf32, #tpu.memory_space<hbm>>
    tpu.enqueue_indirect_dma source(%dma_start3A_43 : memref<10000x64xf32, #tpu.memory_space<hbm>>) target(%arg11 : memref<128x64xf32, #tpu.memory_space<vmem>>) offsets(%dma_start3A_36 : memref<128xi32, #tpu.memory_space<vmem>>) semaphore(%arg18 : memref<!tpu.dma_semaphore, #tpu.memory_space<semaphore_mem>>)
    %dma_start3A_44 = arith.constant 384 : i32
    %dma_start3A_45 = tpu.memref_slice %arg7[%dma_start3A_44] : memref<20000xi32, #tpu.memory_space<vmem>> -> memref<128xi32, #tpu.memory_space<vmem>>
    %dma_start3A_46 = arith.constant 0 : i32
    %dma_start3A_47 = arith.constant 0 : i32
    %dma_start3A_48 = tpu.memref_slice %arg2[%arg0, %dma_start3A_46, %dma_start3A_47] : memref<2x10000x64xf32, #tpu.memory_space<hbm>> -> memref<1x10000x64xf32, #tpu.memory_space<hbm>>
    %dma_start3A_49 = tpu.memref_squeeze %dma_start3A_48 : memref<1x10000x64xf32, #tpu.memory_space<hbm>> -> memref<10000x64xf32, #tpu.memory_space<hbm>>
    %dma_start3A_50 = arith.constant 0 : i32
    %dma_start3A_51 = arith.constant 0 : i32
    %dma_start3A_52 = tpu.memref_slice %dma_start3A_49[%dma_start3A_50, %dma_start3A_51] : memref<10000x64xf32, #tpu.memory_space<hbm>> -> memref<10000x64xf32, #tpu.memory_space<hbm>>
    tpu.enqueue_indirect_dma source(%dma_start3A_52 : memref<10000x64xf32, #tpu.memory_space<hbm>>) target(%arg12 : memref<128x64xf32, #tpu.memory_space<vmem>>) offsets(%dma_start3A_45 : memref<128xi32, #tpu.memory_space<vmem>>) semaphore(%arg19 : memref<!tpu.dma_semaphore, #tpu.memory_space<semaphore_mem>>)
    %scan3A = arith.constant 0 : i32
    %scan3A_53 = arith.constant 0 : i32
    %scan3A_54 = arith.constant 26 : i32
    %scan3A_55 = arith.addi %scan3A_53, %scan3A_54 : i32
    %scan3A_56 = arith.constant 1 : i32
    scf.for %scan3A_86 = %scan3A_53 to %scan3A_55 step %scan3A_56  : i32 {
      %mul3A_87 = arith.constant 6 : i32
      %mul3A_88 = arith.muli %scan3A_86, %mul3A_87 : i32
      %add3A_89 = arith.constant 0 : i32
      %add3A_90 = arith.addi %mul3A_88, %add3A_89 : i32
      tpu.wait_dma2 semaphore(%arg16 : memref<!tpu.dma_semaphore, #tpu.memory_space<semaphore_mem>>) src(%arg5 : memref<128x64xf32, #tpu.memory_space<hbm>>) dst(%arg9 : memref<128x64xf32, #tpu.memory_space<vmem>>)
      %mul3A_91 = arith.constant 128 : i32
      %mul3A_92 = arith.muli %add3A_90, %mul3A_91 : i32
      %dma_start3A_93 = tpu.memref_slice %arg8[%mul3A_92] : memref<20000xi32, #tpu.memory_space<vmem>> -> memref<128xi32, #tpu.memory_space<vmem>>
      %dma_start3A_94 = arith.constant 0 : i32
      %dma_start3A_95 = arith.constant 0 : i32
      %dma_start3A_96 = tpu.memref_slice %arg15[%dma_start3A_94, %dma_start3A_95] : memref<10240x64xf32, #tpu.memory_space<vmem_shared>> -> memref<10240x64xf32, #tpu.memory_space<vmem_shared>>
      tpu.enqueue_indirect_dma source(%arg9 : memref<128x64xf32, #tpu.memory_space<vmem>>) target(%dma_start3A_96 : memref<10240x64xf32, #tpu.memory_space<vmem_shared>>) offsets(%dma_start3A_93 : memref<128xi32, #tpu.memory_space<vmem>>) semaphore(%arg22 : memref<!tpu.dma_semaphore, #tpu.memory_space<semaphore_mem>>) {add = true}
      %add3A_97 = arith.constant 4 : i32
      %add3A_98 = arith.addi %add3A_90, %add3A_97 : i32
      %lt3A = arith.constant 156 : i32
      %lt3A_99 = arith.cmpi slt, %add3A_98, %lt3A : i32
      %convert_element_type3A = arith.extui %lt3A_99 : i1 to i32
      %cond3A = arith.constant 0 : i32
      %cond3A_100 = arith.cmpi ne, %convert_element_type3A, %cond3A : i32
      scf.if %cond3A_100 {
        %ge3A = arith.constant 2 : i32
        %ge3A_186 = arith.cmpi sge, %add3A_90, %ge3A : i32
        %convert_element_type3A_187 = arith.extui %ge3A_186 : i1 to i32
        %cond3A_188 = arith.constant 0 : i32
        %cond3A_189 = arith.cmpi ne, %convert_element_type3A_187, %cond3A_188 : i32
        scf.if %cond3A_189 {
          tpu.wait_dma2 semaphore(%arg26 : memref<!tpu.dma_semaphore, #tpu.memory_space<semaphore_mem>>) src(%arg5 : memref<128x64xf32, #tpu.memory_space<hbm>>) dst(%arg13 : memref<128x64xf32, #tpu.memory_space<vmem>>)
        } else {
        }
        %add3A_190 = arith.constant 4 : i32
        %add3A_191 = arith.addi %add3A_90, %add3A_190 : i32
        %mul3A_192 = arith.constant 128 : i32
        %mul3A_193 = arith.muli %add3A_191, %mul3A_192 : i32
        %dma_start3A_194 = tpu.memref_slice %arg7[%mul3A_193] : memref<20000xi32, #tpu.memory_space<vmem>> -> memref<128xi32, #tpu.memory_space<vmem>>
        %dma_start3A_195 = arith.constant 0 : i32
        %dma_start3A_196 = arith.constant 0 : i32
        %dma_start3A_197 = tpu.memref_slice %arg2[%arg0, %dma_start3A_195, %dma_start3A_196] : memref<2x10000x64xf32, #tpu.memory_space<hbm>> -> memref<1x10000x64xf32, #tpu.memory_space<hbm>>
        %dma_start3A_198 = tpu.memref_squeeze %dma_start3A_197 : memref<1x10000x64xf32, #tpu.memory_space<hbm>> -> memref<10000x64xf32, #tpu.memory_space<hbm>>
        %dma_start3A_199 = arith.constant 0 : i32
        %dma_start3A_200 = arith.constant 0 : i32
        %dma_start3A_201 = tpu.memref_slice %dma_start3A_198[%dma_start3A_199, %dma_start3A_200] : memref<10000x64xf32, #tpu.memory_space<hbm>> -> memref<10000x64xf32, #tpu.memory_space<hbm>>
        tpu.enqueue_indirect_dma source(%dma_start3A_201 : memref<10000x64xf32, #tpu.memory_space<hbm>>) target(%arg13 : memref<128x64xf32, #tpu.memory_space<vmem>>) offsets(%dma_start3A_194 : memref<128xi32, #tpu.memory_space<vmem>>) semaphore(%arg20 : memref<!tpu.dma_semaphore, #tpu.memory_space<semaphore_mem>>)
      } else {
      }
      %mul3A_101 = arith.constant 6 : i32
      %mul3A_102 = arith.muli %scan3A_86, %mul3A_101 : i32
      %add3A_103 = arith.constant 1 : i32
      %add3A_104 = arith.addi %mul3A_102, %add3A_103 : i32
      tpu.wait_dma2 semaphore(%arg17 : memref<!tpu.dma_semaphore, #tpu.memory_space<semaphore_mem>>) src(%arg5 : memref<128x64xf32, #tpu.memory_space<hbm>>) dst(%arg10 : memref<128x64xf32, #tpu.memory_space<vmem>>)
      %mul3A_105 = arith.constant 128 : i32
      %mul3A_106 = arith.muli %add3A_104, %mul3A_105 : i32
      %dma_start3A_107 = tpu.memref_slice %arg8[%mul3A_106] : memref<20000xi32, #tpu.memory_space<vmem>> -> memref<128xi32, #tpu.memory_space<vmem>>
      %dma_start3A_108 = arith.constant 0 : i32
      %dma_start3A_109 = arith.constant 0 : i32
      %dma_start3A_110 = tpu.memref_slice %arg15[%dma_start3A_108, %dma_start3A_109] : memref<10240x64xf32, #tpu.memory_space<vmem_shared>> -> memref<10240x64xf32, #tpu.memory_space<vmem_shared>>
      tpu.enqueue_indirect_dma source(%arg10 : memref<128x64xf32, #tpu.memory_space<vmem>>) target(%dma_start3A_110 : memref<10240x64xf32, #tpu.memory_space<vmem_shared>>) offsets(%dma_start3A_107 : memref<128xi32, #tpu.memory_space<vmem>>) semaphore(%arg23 : memref<!tpu.dma_semaphore, #tpu.memory_space<semaphore_mem>>) {add = true}
      %add3A_111 = arith.constant 4 : i32
      %add3A_112 = arith.addi %add3A_104, %add3A_111 : i32
      %lt3A_113 = arith.constant 156 : i32
      %lt3A_114 = arith.cmpi slt, %add3A_112, %lt3A_113 : i32
      %convert_element_type3A_115 = arith.extui %lt3A_114 : i1 to i32
      %cond3A_116 = arith.constant 0 : i32
      %cond3A_117 = arith.cmpi ne, %convert_element_type3A_115, %cond3A_116 : i32
      scf.if %cond3A_117 {
        %ge3A = arith.constant 2 : i32
        %ge3A_186 = arith.cmpi sge, %add3A_104, %ge3A : i32
        %convert_element_type3A_187 = arith.extui %ge3A_186 : i1 to i32
        %cond3A_188 = arith.constant 0 : i32
        %cond3A_189 = arith.cmpi ne, %convert_element_type3A_187, %cond3A_188 : i32
        scf.if %cond3A_189 {
          tpu.wait_dma2 semaphore(%arg27 : memref<!tpu.dma_semaphore, #tpu.memory_space<semaphore_mem>>) src(%arg5 : memref<128x64xf32, #tpu.memory_space<hbm>>) dst(%arg14 : memref<128x64xf32, #tpu.memory_space<vmem>>)
        } else {
        }
        %add3A_190 = arith.constant 4 : i32
        %add3A_191 = arith.addi %add3A_104, %add3A_190 : i32
        %mul3A_192 = arith.constant 128 : i32
        %mul3A_193 = arith.muli %add3A_191, %mul3A_192 : i32
        %dma_start3A_194 = tpu.memref_slice %arg7[%mul3A_193] : memref<20000xi32, #tpu.memory_space<vmem>> -> memref<128xi32, #tpu.memory_space<vmem>>
        %dma_start3A_195 = arith.constant 0 : i32
        %dma_start3A_196 = arith.constant 0 : i32
        %dma_start3A_197 = tpu.memref_slice %arg2[%arg0, %dma_start3A_195, %dma_start3A_196] : memref<2x10000x64xf32, #tpu.memory_space<hbm>> -> memref<1x10000x64xf32, #tpu.memory_space<hbm>>
        %dma_start3A_198 = tpu.memref_squeeze %dma_start3A_197 : memref<1x10000x64xf32, #tpu.memory_space<hbm>> -> memref<10000x64xf32, #tpu.memory_space<hbm>>
        %dma_start3A_199 = arith.constant 0 : i32
        %dma_start3A_200 = arith.constant 0 : i32
        %dma_start3A_201 = tpu.memref_slice %dma_start3A_198[%dma_start3A_199, %dma_start3A_200] : memref<10000x64xf32, #tpu.memory_space<hbm>> -> memref<10000x64xf32, #tpu.memory_space<hbm>>
        tpu.enqueue_indirect_dma source(%dma_start3A_201 : memref<10000x64xf32, #tpu.memory_space<hbm>>) target(%arg14 : memref<128x64xf32, #tpu.memory_space<vmem>>) offsets(%dma_start3A_194 : memref<128xi32, #tpu.memory_space<vmem>>) semaphore(%arg21 : memref<!tpu.dma_semaphore, #tpu.memory_space<semaphore_mem>>)
      } else {
      }
      %mul3A_118 = arith.constant 6 : i32
      %mul3A_119 = arith.muli %scan3A_86, %mul3A_118 : i32
      %add3A_120 = arith.constant 2 : i32
      %add3A_121 = arith.addi %mul3A_119, %add3A_120 : i32
      tpu.wait_dma2 semaphore(%arg18 : memref<!tpu.dma_semaphore, #tpu.memory_space<semaphore_mem>>) src(%arg5 : memref<128x64xf32, #tpu.memory_space<hbm>>) dst(%arg11 : memref<128x64xf32, #tpu.memory_space<vmem>>)
      %mul3A_122 = arith.constant 128 : i32
      %mul3A_123 = arith.muli %add3A_121, %mul3A_122 : i32
      %dma_start3A_124 = tpu.memref_slice %arg8[%mul3A_123] : memref<20000xi32, #tpu.memory_space<vmem>> -> memref<128xi32, #tpu.memory_space<vmem>>
      %dma_start3A_125 = arith.constant 0 : i32
      %dma_start3A_126 = arith.constant 0 : i32
      %dma_start3A_127 = tpu.memref_slice %arg15[%dma_start3A_125, %dma_start3A_126] : memref<10240x64xf32, #tpu.memory_space<vmem_shared>> -> memref<10240x64xf32, #tpu.memory_space<vmem_shared>>
      tpu.enqueue_indirect_dma source(%arg11 : memref<128x64xf32, #tpu.memory_space<vmem>>) target(%dma_start3A_127 : memref<10240x64xf32, #tpu.memory_space<vmem_shared>>) offsets(%dma_start3A_124 : memref<128xi32, #tpu.memory_space<vmem>>) semaphore(%arg24 : memref<!tpu.dma_semaphore, #tpu.memory_space<semaphore_mem>>) {add = true}
      %add3A_128 = arith.constant 4 : i32
      %add3A_129 = arith.addi %add3A_121, %add3A_128 : i32
      %lt3A_130 = arith.constant 156 : i32
      %lt3A_131 = arith.cmpi slt, %add3A_129, %lt3A_130 : i32
      %convert_element_type3A_132 = arith.extui %lt3A_131 : i1 to i32
      %cond3A_133 = arith.constant 0 : i32
      %cond3A_134 = arith.cmpi ne, %convert_element_type3A_132, %cond3A_133 : i32
      scf.if %cond3A_134 {
        %ge3A = arith.constant 2 : i32
        %ge3A_186 = arith.cmpi sge, %add3A_121, %ge3A : i32
        %convert_element_type3A_187 = arith.extui %ge3A_186 : i1 to i32
        %cond3A_188 = arith.constant 0 : i32
        %cond3A_189 = arith.cmpi ne, %convert_element_type3A_187, %cond3A_188 : i32
        scf.if %cond3A_189 {
          tpu.wait_dma2 semaphore(%arg22 : memref<!tpu.dma_semaphore, #tpu.memory_space<semaphore_mem>>) src(%arg5 : memref<128x64xf32, #tpu.memory_space<hbm>>) dst(%arg9 : memref<128x64xf32, #tpu.memory_space<vmem>>)
        } else {
        }
        %add3A_190 = arith.constant 4 : i32
        %add3A_191 = arith.addi %add3A_121, %add3A_190 : i32
        %mul3A_192 = arith.constant 128 : i32
        %mul3A_193 = arith.muli %add3A_191, %mul3A_192 : i32
        %dma_start3A_194 = tpu.memref_slice %arg7[%mul3A_193] : memref<20000xi32, #tpu.memory_space<vmem>> -> memref<128xi32, #tpu.memory_space<vmem>>
        %dma_start3A_195 = arith.constant 0 : i32
        %dma_start3A_196 = arith.constant 0 : i32
        %dma_start3A_197 = tpu.memref_slice %arg2[%arg0, %dma_start3A_195, %dma_start3A_196] : memref<2x10000x64xf32, #tpu.memory_space<hbm>> -> memref<1x10000x64xf32, #tpu.memory_space<hbm>>
        %dma_start3A_198 = tpu.memref_squeeze %dma_start3A_197 : memref<1x10000x64xf32, #tpu.memory_space<hbm>> -> memref<10000x64xf32, #tpu.memory_space<hbm>>
        %dma_start3A_199 = arith.constant 0 : i32
        %dma_start3A_200 = arith.constant 0 : i32
        %dma_start3A_201 = tpu.memref_slice %dma_start3A_198[%dma_start3A_199, %dma_start3A_200] : memref<10000x64xf32, #tpu.memory_space<hbm>> -> memref<10000x64xf32, #tpu.memory_space<hbm>>
        tpu.enqueue_indirect_dma source(%dma_start3A_201 : memref<10000x64xf32, #tpu.memory_space<hbm>>) target(%arg9 : memref<128x64xf32, #tpu.memory_space<vmem>>) offsets(%dma_start3A_194 : memref<128xi32, #tpu.memory_space<vmem>>) semaphore(%arg16 : memref<!tpu.dma_semaphore, #tpu.memory_space<semaphore_mem>>)
      } else {
      }
      %mul3A_135 = arith.constant 6 : i32
      %mul3A_136 = arith.muli %scan3A_86, %mul3A_135 : i32
      %add3A_137 = arith.constant 3 : i32
      %add3A_138 = arith.addi %mul3A_136, %add3A_137 : i32
      tpu.wait_dma2 semaphore(%arg19 : memref<!tpu.dma_semaphore, #tpu.memory_space<semaphore_mem>>) src(%arg5 : memref<128x64xf32, #tpu.memory_space<hbm>>) dst(%arg12 : memref<128x64xf32, #tpu.memory_space<vmem>>)
      %mul3A_139 = arith.constant 128 : i32
      %mul3A_140 = arith.muli %add3A_138, %mul3A_139 : i32
      %dma_start3A_141 = tpu.memref_slice %arg8[%mul3A_140] : memref<20000xi32, #tpu.memory_space<vmem>> -> memref<128xi32, #tpu.memory_space<vmem>>
      %dma_start3A_142 = arith.constant 0 : i32
      %dma_start3A_143 = arith.constant 0 : i32
      %dma_start3A_144 = tpu.memref_slice %arg15[%dma_start3A_142, %dma_start3A_143] : memref<10240x64xf32, #tpu.memory_space<vmem_shared>> -> memref<10240x64xf32, #tpu.memory_space<vmem_shared>>
      tpu.enqueue_indirect_dma source(%arg12 : memref<128x64xf32, #tpu.memory_space<vmem>>) target(%dma_start3A_144 : memref<10240x64xf32, #tpu.memory_space<vmem_shared>>) offsets(%dma_start3A_141 : memref<128xi32, #tpu.memory_space<vmem>>) semaphore(%arg25 : memref<!tpu.dma_semaphore, #tpu.memory_space<semaphore_mem>>) {add = true}
      %add3A_145 = arith.constant 4 : i32
      %add3A_146 = arith.addi %add3A_138, %add3A_145 : i32
      %lt3A_147 = arith.constant 156 : i32
      %lt3A_148 = arith.cmpi slt, %add3A_146, %lt3A_147 : i32
      %convert_element_type3A_149 = arith.extui %lt3A_148 : i1 to i32
      %cond3A_150 = arith.constant 0 : i32
      %cond3A_151 = arith.cmpi ne, %convert_element_type3A_149, %cond3A_150 : i32
      scf.if %cond3A_151 {
        %ge3A = arith.constant 2 : i32
        %ge3A_186 = arith.cmpi sge, %add3A_138, %ge3A : i32
        %convert_element_type3A_187 = arith.extui %ge3A_186 : i1 to i32
        %cond3A_188 = arith.constant 0 : i32
        %cond3A_189 = arith.cmpi ne, %convert_element_type3A_187, %cond3A_188 : i32
        scf.if %cond3A_189 {
          tpu.wait_dma2 semaphore(%arg23 : memref<!tpu.dma_semaphore, #tpu.memory_space<semaphore_mem>>) src(%arg5 : memref<128x64xf32, #tpu.memory_space<hbm>>) dst(%arg10 : memref<128x64xf32, #tpu.memory_space<vmem>>)
        } else {
        }
        %add3A_190 = arith.constant 4 : i32
        %add3A_191 = arith.addi %add3A_138, %add3A_190 : i32
        %mul3A_192 = arith.constant 128 : i32
        %mul3A_193 = arith.muli %add3A_191, %mul3A_192 : i32
        %dma_start3A_194 = tpu.memref_slice %arg7[%mul3A_193] : memref<20000xi32, #tpu.memory_space<vmem>> -> memref<128xi32, #tpu.memory_space<vmem>>
        %dma_start3A_195 = arith.constant 0 : i32
        %dma_start3A_196 = arith.constant 0 : i32
        %dma_start3A_197 = tpu.memref_slice %arg2[%arg0, %dma_start3A_195, %dma_start3A_196] : memref<2x10000x64xf32, #tpu.memory_space<hbm>> -> memref<1x10000x64xf32, #tpu.memory_space<hbm>>
        %dma_start3A_198 = tpu.memref_squeeze %dma_start3A_197 : memref<1x10000x64xf32, #tpu.memory_space<hbm>> -> memref<10000x64xf32, #tpu.memory_space<hbm>>
        %dma_start3A_199 = arith.constant 0 : i32
        %dma_start3A_200 = arith.constant 0 : i32
        %dma_start3A_201 = tpu.memref_slice %dma_start3A_198[%dma_start3A_199, %dma_start3A_200] : memref<10000x64xf32, #tpu.memory_space<hbm>> -> memref<10000x64xf32, #tpu.memory_space<hbm>>
        tpu.enqueue_indirect_dma source(%dma_start3A_201 : memref<10000x64xf32, #tpu.memory_space<hbm>>) target(%arg10 : memref<128x64xf32, #tpu.memory_space<vmem>>) offsets(%dma_start3A_194 : memref<128xi32, #tpu.memory_space<vmem>>) semaphore(%arg17 : memref<!tpu.dma_semaphore, #tpu.memory_space<semaphore_mem>>)
      } else {
      }
      %mul3A_152 = arith.constant 6 : i32
      %mul3A_153 = arith.muli %scan3A_86, %mul3A_152 : i32
      %add3A_154 = arith.constant 4 : i32
      %add3A_155 = arith.addi %mul3A_153, %add3A_154 : i32
      tpu.wait_dma2 semaphore(%arg20 : memref<!tpu.dma_semaphore, #tpu.memory_space<semaphore_mem>>) src(%arg5 : memref<128x64xf32, #tpu.memory_space<hbm>>) dst(%arg13 : memref<128x64xf32, #tpu.memory_space<vmem>>)
      %mul3A_156 = arith.constant 128 : i32
      %mul3A_157 = arith.muli %add3A_155, %mul3A_156 : i32
      %dma_start3A_158 = tpu.memref_slice %arg8[%mul3A_157] : memref<20000xi32, #tpu.memory_space<vmem>> -> memref<128xi32, #tpu.memory_space<vmem>>
      %dma_start3A_159 = arith.constant 0 : i32
      %dma_start3A_160 = arith.constant 0 : i32
      %dma_start3A_161 = tpu.memref_slice %arg15[%dma_start3A_159, %dma_start3A_160] : memref<10240x64xf32, #tpu.memory_space<vmem_shared>> -> memref<10240x64xf32, #tpu.memory_space<vmem_shared>>
      tpu.enqueue_indirect_dma source(%arg13 : memref<128x64xf32, #tpu.memory_space<vmem>>) target(%dma_start3A_161 : memref<10240x64xf32, #tpu.memory_space<vmem_shared>>) offsets(%dma_start3A_158 : memref<128xi32, #tpu.memory_space<vmem>>) semaphore(%arg26 : memref<!tpu.dma_semaphore, #tpu.memory_space<semaphore_mem>>) {add = true}
      %add3A_162 = arith.constant 4 : i32
      %add3A_163 = arith.addi %add3A_155, %add3A_162 : i32
      %lt3A_164 = arith.constant 156 : i32
      %lt3A_165 = arith.cmpi slt, %add3A_163, %lt3A_164 : i32
      %convert_element_type3A_166 = arith.extui %lt3A_165 : i1 to i32
      %cond3A_167 = arith.constant 0 : i32
      %cond3A_168 = arith.cmpi ne, %convert_element_type3A_166, %cond3A_167 : i32
      scf.if %cond3A_168 {
        %ge3A = arith.constant 2 : i32
        %ge3A_186 = arith.cmpi sge, %add3A_155, %ge3A : i32
        %convert_element_type3A_187 = arith.extui %ge3A_186 : i1 to i32
        %cond3A_188 = arith.constant 0 : i32
        %cond3A_189 = arith.cmpi ne, %convert_element_type3A_187, %cond3A_188 : i32
        scf.if %cond3A_189 {
          tpu.wait_dma2 semaphore(%arg24 : memref<!tpu.dma_semaphore, #tpu.memory_space<semaphore_mem>>) src(%arg5 : memref<128x64xf32, #tpu.memory_space<hbm>>) dst(%arg11 : memref<128x64xf32, #tpu.memory_space<vmem>>)
        } else {
        }
        %add3A_190 = arith.constant 4 : i32
        %add3A_191 = arith.addi %add3A_155, %add3A_190 : i32
        %mul3A_192 = arith.constant 128 : i32
        %mul3A_193 = arith.muli %add3A_191, %mul3A_192 : i32
        %dma_start3A_194 = tpu.memref_slice %arg7[%mul3A_193] : memref<20000xi32, #tpu.memory_space<vmem>> -> memref<128xi32, #tpu.memory_space<vmem>>
        %dma_start3A_195 = arith.constant 0 : i32
        %dma_start3A_196 = arith.constant 0 : i32
        %dma_start3A_197 = tpu.memref_slice %arg2[%arg0, %dma_start3A_195, %dma_start3A_196] : memref<2x10000x64xf32, #tpu.memory_space<hbm>> -> memref<1x10000x64xf32, #tpu.memory_space<hbm>>
        %dma_start3A_198 = tpu.memref_squeeze %dma_start3A_197 : memref<1x10000x64xf32, #tpu.memory_space<hbm>> -> memref<10000x64xf32, #tpu.memory_space<hbm>>
        %dma_start3A_199 = arith.constant 0 : i32
        %dma_start3A_200 = arith.constant 0 : i32
        %dma_start3A_201 = tpu.memref_slice %dma_start3A_198[%dma_start3A_199, %dma_start3A_200] : memref<10000x64xf32, #tpu.memory_space<hbm>> -> memref<10000x64xf32, #tpu.memory_space<hbm>>
        tpu.enqueue_indirect_dma source(%dma_start3A_201 : memref<10000x64xf32, #tpu.memory_space<hbm>>) target(%arg11 : memref<128x64xf32, #tpu.memory_space<vmem>>) offsets(%dma_start3A_194 : memref<128xi32, #tpu.memory_space<vmem>>) semaphore(%arg18 : memref<!tpu.dma_semaphore, #tpu.memory_space<semaphore_mem>>)
      } else {
      }
      %mul3A_169 = arith.constant 6 : i32
      %mul3A_170 = arith.muli %scan3A_86, %mul3A_169 : i32
      %add3A_171 = arith.constant 5 : i32
      %add3A_172 = arith.addi %mul3A_170, %add3A_171 : i32
      tpu.wait_dma2 semaphore(%arg21 : memref<!tpu.dma_semaphore, #tpu.memory_space<semaphore_mem>>) src(%arg5 : memref<128x64xf32, #tpu.memory_space<hbm>>) dst(%arg14 : memref<128x64xf32, #tpu.memory_space<vmem>>)
      %mul3A_173 = arith.constant 128 : i32
      %mul3A_174 = arith.muli %add3A_172, %mul3A_173 : i32
      %dma_start3A_175 = tpu.memref_slice %arg8[%mul3A_174] : memref<20000xi32, #tpu.memory_space<vmem>> -> memref<128xi32, #tpu.memory_space<vmem>>
      %dma_start3A_176 = arith.constant 0 : i32
      %dma_start3A_177 = arith.constant 0 : i32
      %dma_start3A_178 = tpu.memref_slice %arg15[%dma_start3A_176, %dma_start3A_177] : memref<10240x64xf32, #tpu.memory_space<vmem_shared>> -> memref<10240x64xf32, #tpu.memory_space<vmem_shared>>
      tpu.enqueue_indirect_dma source(%arg14 : memref<128x64xf32, #tpu.memory_space<vmem>>) target(%dma_start3A_178 : memref<10240x64xf32, #tpu.memory_space<vmem_shared>>) offsets(%dma_start3A_175 : memref<128xi32, #tpu.memory_space<vmem>>) semaphore(%arg27 : memref<!tpu.dma_semaphore, #tpu.memory_space<semaphore_mem>>) {add = true}
      %add3A_179 = arith.constant 4 : i32
      %add3A_180 = arith.addi %add3A_172, %add3A_179 : i32
      %lt3A_181 = arith.constant 156 : i32
      %lt3A_182 = arith.cmpi slt, %add3A_180, %lt3A_181 : i32
      %convert_element_type3A_183 = arith.extui %lt3A_182 : i1 to i32
      %cond3A_184 = arith.constant 0 : i32
      %cond3A_185 = arith.cmpi ne, %convert_element_type3A_183, %cond3A_184 : i32
      scf.if %cond3A_185 {
        %ge3A = arith.constant 2 : i32
        %ge3A_186 = arith.cmpi sge, %add3A_172, %ge3A : i32
        %convert_element_type3A_187 = arith.extui %ge3A_186 : i1 to i32
        %cond3A_188 = arith.constant 0 : i32
        %cond3A_189 = arith.cmpi ne, %convert_element_type3A_187, %cond3A_188 : i32
        scf.if %cond3A_189 {
          tpu.wait_dma2 semaphore(%arg25 : memref<!tpu.dma_semaphore, #tpu.memory_space<semaphore_mem>>) src(%arg5 : memref<128x64xf32, #tpu.memory_space<hbm>>) dst(%arg12 : memref<128x64xf32, #tpu.memory_space<vmem>>)
        } else {
        }
        %add3A_190 = arith.constant 4 : i32
        %add3A_191 = arith.addi %add3A_172, %add3A_190 : i32
        %mul3A_192 = arith.constant 128 : i32
        %mul3A_193 = arith.muli %add3A_191, %mul3A_192 : i32
        %dma_start3A_194 = tpu.memref_slice %arg7[%mul3A_193] : memref<20000xi32, #tpu.memory_space<vmem>> -> memref<128xi32, #tpu.memory_space<vmem>>
        %dma_start3A_195 = arith.constant 0 : i32
        %dma_start3A_196 = arith.constant 0 : i32
        %dma_start3A_197 = tpu.memref_slice %arg2[%arg0, %dma_start3A_195, %dma_start3A_196] : memref<2x10000x64xf32, #tpu.memory_space<hbm>> -> memref<1x10000x64xf32, #tpu.memory_space<hbm>>
        %dma_start3A_198 = tpu.memref_squeeze %dma_start3A_197 : memref<1x10000x64xf32, #tpu.memory_space<hbm>> -> memref<10000x64xf32, #tpu.memory_space<hbm>>
        %dma_start3A_199 = arith.constant 0 : i32
        %dma_start3A_200 = arith.constant 0 : i32
        %dma_start3A_201 = tpu.memref_slice %dma_start3A_198[%dma_start3A_199, %dma_start3A_200] : memref<10000x64xf32, #tpu.memory_space<hbm>> -> memref<10000x64xf32, #tpu.memory_space<hbm>>
        tpu.enqueue_indirect_dma source(%dma_start3A_201 : memref<10000x64xf32, #tpu.memory_space<hbm>>) target(%arg12 : memref<128x64xf32, #tpu.memory_space<vmem>>) offsets(%dma_start3A_194 : memref<128xi32, #tpu.memory_space<vmem>>) semaphore(%arg19 : memref<!tpu.dma_semaphore, #tpu.memory_space<semaphore_mem>>)
      } else {
      }
    }
    %scan3A_57 = arith.constant 26 : i32
    tpu.wait_dma2 semaphore(%arg22 : memref<!tpu.dma_semaphore, #tpu.memory_space<semaphore_mem>>) src(%arg5 : memref<128x64xf32, #tpu.memory_space<hbm>>) dst(%arg9 : memref<128x64xf32, #tpu.memory_space<vmem>>)
    tpu.wait_dma2 semaphore(%arg23 : memref<!tpu.dma_semaphore, #tpu.memory_space<semaphore_mem>>) src(%arg5 : memref<128x64xf32, #tpu.memory_space<hbm>>) dst(%arg10 : memref<128x64xf32, #tpu.memory_space<vmem>>)
    tpu.wait_dma2 semaphore(%arg24 : memref<!tpu.dma_semaphore, #tpu.memory_space<semaphore_mem>>) src(%arg5 : memref<128x64xf32, #tpu.memory_space<hbm>>) dst(%arg11 : memref<128x64xf32, #tpu.memory_space<vmem>>)
    tpu.wait_dma2 semaphore(%arg25 : memref<!tpu.dma_semaphore, #tpu.memory_space<semaphore_mem>>) src(%arg5 : memref<128x64xf32, #tpu.memory_space<hbm>>) dst(%arg12 : memref<128x64xf32, #tpu.memory_space<vmem>>)
    tpu.wait_dma2 semaphore(%arg26 : memref<!tpu.dma_semaphore, #tpu.memory_space<semaphore_mem>>) src(%arg5 : memref<128x64xf32, #tpu.memory_space<hbm>>) dst(%arg13 : memref<128x64xf32, #tpu.memory_space<vmem>>)
    tpu.wait_dma2 semaphore(%arg27 : memref<!tpu.dma_semaphore, #tpu.memory_space<semaphore_mem>>) src(%arg5 : memref<128x64xf32, #tpu.memory_space<hbm>>) dst(%arg14 : memref<128x64xf32, #tpu.memory_space<vmem>>)
    %dma_start3A_58 = arith.constant 0 : i32
    %dma_start3A_59 = arith.constant 0 : i32
    %dma_start3A_60 = tpu.memref_slice %arg9[%dma_start3A_58, %dma_start3A_59] : memref<128x64xf32, #tpu.memory_space<vmem>> -> memref<32x64xf32, #tpu.memory_space<vmem>>
    %dma_start3A_61 = arith.constant 19968 : i32
    %dma_start3A_62 = tpu.memref_slice %arg7[%dma_start3A_61] : memref<20000xi32, #tpu.memory_space<vmem>> -> memref<32xi32, #tpu.memory_space<vmem>>
    %dma_start3A_63 = arith.constant 0 : i32
    %dma_start3A_64 = arith.constant 0 : i32
    %dma_start3A_65 = tpu.memref_slice %arg2[%arg0, %dma_start3A_63, %dma_start3A_64] : memref<2x10000x64xf32, #tpu.memory_space<hbm>> -> memref<1x10000x64xf32, #tpu.memory_space<hbm>>
    %dma_start3A_66 = tpu.memref_squeeze %dma_start3A_65 : memref<1x10000x64xf32, #tpu.memory_space<hbm>> -> memref<10000x64xf32, #tpu.memory_space<hbm>>
    %dma_start3A_67 = arith.constant 0 : i32
    %dma_start3A_68 = arith.constant 0 : i32
    %dma_start3A_69 = tpu.memref_slice %dma_start3A_66[%dma_start3A_67, %dma_start3A_68] : memref<10000x64xf32, #tpu.memory_space<hbm>> -> memref<10000x64xf32, #tpu.memory_space<hbm>>
    tpu.enqueue_indirect_dma source(%dma_start3A_69 : memref<10000x64xf32, #tpu.memory_space<hbm>>) target(%dma_start3A_60 : memref<32x64xf32, #tpu.memory_space<vmem>>) offsets(%dma_start3A_62 : memref<32xi32, #tpu.memory_space<vmem>>) semaphore(%arg16 : memref<!tpu.dma_semaphore, #tpu.memory_space<semaphore_mem>>)
    %dma_wait3A = arith.constant 0 : i32
    %dma_wait3A_70 = arith.constant 0 : i32
    %dma_wait3A_71 = tpu.memref_slice %arg9[%dma_wait3A, %dma_wait3A_70] : memref<128x64xf32, #tpu.memory_space<vmem>> -> memref<32x64xf32, #tpu.memory_space<vmem>>
    %dma_wait3A_72 = arith.constant 19968 : i32
    %dma_wait3A_73 = tpu.memref_slice %arg7[%dma_wait3A_72] : memref<20000xi32, #tpu.memory_space<vmem>> -> memref<32xi32, #tpu.memory_space<vmem>>
    %dma_wait3A_74 = arith.constant 0 : i32
    %dma_wait3A_75 = arith.constant 0 : i32
    %dma_wait3A_76 = tpu.memref_slice %arg2[%arg0, %dma_wait3A_74, %dma_wait3A_75] : memref<2x10000x64xf32, #tpu.memory_space<hbm>> -> memref<1x10000x64xf32, #tpu.memory_space<hbm>>
    %dma_wait3A_77 = tpu.memref_squeeze %dma_wait3A_76 : memref<1x10000x64xf32, #tpu.memory_space<hbm>> -> memref<10000x64xf32, #tpu.memory_space<hbm>>
    %dma_wait3A_78 = arith.constant 0 : i32
    %dma_wait3A_79 = arith.constant 0 : i32
    %dma_wait3A_80 = tpu.memref_slice %dma_wait3A_77[%dma_wait3A_78, %dma_wait3A_79] : memref<10000x64xf32, #tpu.memory_space<hbm>> -> memref<10000x64xf32, #tpu.memory_space<hbm>>
    tpu.wait_indirect_dma semaphore(%arg16 : memref<!tpu.dma_semaphore, #tpu.memory_space<semaphore_mem>>) src(%dma_wait3A_80 : memref<10000x64xf32, #tpu.memory_space<hbm>>) dst(%dma_wait3A_71 : memref<32x64xf32, #tpu.memory_space<vmem>>)
    "tpu.region"() ({
      %run_scoped3A = tpu.sem_alloc : memref<!tpu.dma_semaphore, #tpu.memory_space<semaphore_mem>>
      %dma_start3A_86 = arith.constant 0 : i32
      %dma_start3A_87 = arith.constant 0 : i32
      %dma_start3A_88 = tpu.memref_slice %arg9[%dma_start3A_86, %dma_start3A_87] : memref<128x64xf32, #tpu.memory_space<vmem>> -> memref<32x64xf32, #tpu.memory_space<vmem>>
      %dma_start3A_89 = arith.constant 19968 : i32
      %dma_start3A_90 = tpu.memref_slice %arg8[%dma_start3A_89] : memref<20000xi32, #tpu.memory_space<vmem>> -> memref<32xi32, #tpu.memory_space<vmem>>
      %dma_start3A_91 = arith.constant 0 : i32
      %dma_start3A_92 = arith.constant 0 : i32
      %dma_start3A_93 = tpu.memref_slice %arg15[%dma_start3A_91, %dma_start3A_92] : memref<10240x64xf32, #tpu.memory_space<vmem_shared>> -> memref<10240x64xf32, #tpu.memory_space<vmem_shared>>
      tpu.enqueue_indirect_dma source(%dma_start3A_88 : memref<32x64xf32, #tpu.memory_space<vmem>>) target(%dma_start3A_93 : memref<10240x64xf32, #tpu.memory_space<vmem_shared>>) offsets(%dma_start3A_90 : memref<32xi32, #tpu.memory_space<vmem>>) semaphore(%run_scoped3A : memref<!tpu.dma_semaphore, #tpu.memory_space<semaphore_mem>>) {add = true}
      %dma_wait3A_94 = arith.constant 0 : i32
      %dma_wait3A_95 = arith.constant 0 : i32
      %dma_wait3A_96 = tpu.memref_slice %arg9[%dma_wait3A_94, %dma_wait3A_95] : memref<128x64xf32, #tpu.memory_space<vmem>> -> memref<32x64xf32, #tpu.memory_space<vmem>>
      %dma_wait3A_97 = arith.constant 19968 : i32
      %dma_wait3A_98 = tpu.memref_slice %arg8[%dma_wait3A_97] : memref<20000xi32, #tpu.memory_space<vmem>> -> memref<32xi32, #tpu.memory_space<vmem>>
      %dma_wait3A_99 = arith.constant 0 : i32
      %dma_wait3A_100 = arith.constant 0 : i32
      %dma_wait3A_101 = tpu.memref_slice %arg15[%dma_wait3A_99, %dma_wait3A_100] : memref<10240x64xf32, #tpu.memory_space<vmem_shared>> -> memref<10240x64xf32, #tpu.memory_space<vmem_shared>>
      tpu.wait_indirect_dma semaphore(%run_scoped3A : memref<!tpu.dma_semaphore, #tpu.memory_space<semaphore_mem>>) src(%dma_wait3A_96 : memref<32x64xf32, #tpu.memory_space<vmem>>) dst(%dma_wait3A_101 : memref<10240x64xf32, #tpu.memory_space<vmem_shared>>)
      tpu.yield
    }) : () -> ()
    %barrier3A_81 = arith.constant 0 : index
    tpu.barrier barrier_id(%barrier3A_81)
    %mul3A_82 = arith.constant 640 : i32
    %mul3A_83 = arith.muli %arg1, %mul3A_82 : i32
    %mul3A_84 = arith.constant 640 : i32
    %mul3A_85 = arith.muli %arg1, %mul3A_84 : i32
    "tpu.region"() ({
      %run_scoped3A = tpu.sem_alloc : memref<!tpu.dma_semaphore, #tpu.memory_space<semaphore_mem>>
      %dma_start3A_86 = arith.constant 0 : i32
      %dma_start3A_87 = arith.constant 0 : i32
      %dma_start3A_88 = tpu.memref_slice %arg6[%arg0, %dma_start3A_86, %dma_start3A_87] : memref<2x10240x64xf32, #tpu.memory_space<hbm>> -> memref<1x10240x64xf32, #tpu.memory_space<hbm>>
      %dma_start3A_89 = tpu.memref_squeeze %dma_start3A_88 : memref<1x10240x64xf32, #tpu.memory_space<hbm>> -> memref<10240x64xf32, #tpu.memory_space<hbm>>
      %dma_start3A_90 = arith.constant 0 : i32
      %dma_start3A_91 = tpu.memref_slice %dma_start3A_89[%mul3A_85, %dma_start3A_90] : memref<10240x64xf32, #tpu.memory_space<hbm>> -> memref<640x64xf32, #tpu.memory_space<hbm>>
      %dma_start3A_92 = arith.constant 0 : i32
      %dma_start3A_93 = tpu.memref_slice %arg15[%mul3A_83, %dma_start3A_92] : memref<10240x64xf32, #tpu.memory_space<vmem_shared>> -> memref<640x64xf32, #tpu.memory_space<vmem_shared>>
      tpu.enqueue_dma source(%dma_start3A_93 : memref<640x64xf32, #tpu.memory_space<vmem_shared>>) target(%dma_start3A_91 : memref<640x64xf32, #tpu.memory_space<hbm>>) target_semaphore(%run_scoped3A : memref<!tpu.dma_semaphore, #tpu.memory_space<semaphore_mem>>)
      %dma_wait3A_94 = arith.constant 0 : i32
      %dma_wait3A_95 = arith.constant 0 : i32
      %dma_wait3A_96 = tpu.memref_slice %arg6[%arg0, %dma_wait3A_94, %dma_wait3A_95] : memref<2x10240x64xf32, #tpu.memory_space<hbm>> -> memref<1x10240x64xf32, #tpu.memory_space<hbm>>
      %dma_wait3A_97 = tpu.memref_squeeze %dma_wait3A_96 : memref<1x10240x64xf32, #tpu.memory_space<hbm>> -> memref<10240x64xf32, #tpu.memory_space<hbm>>
      %dma_wait3A_98 = arith.constant 0 : i32
      %dma_wait3A_99 = tpu.memref_slice %dma_wait3A_97[%mul3A_85, %dma_wait3A_98] : memref<10240x64xf32, #tpu.memory_space<hbm>> -> memref<640x64xf32, #tpu.memory_space<hbm>>
      %dma_wait3A_100 = arith.constant 0 : i32
      %dma_wait3A_101 = tpu.memref_slice %arg15[%mul3A_83, %dma_wait3A_100] : memref<10240x64xf32, #tpu.memory_space<vmem_shared>> -> memref<640x64xf32, #tpu.memory_space<vmem_shared>>
      tpu.wait_dma2 semaphore(%run_scoped3A : memref<!tpu.dma_semaphore, #tpu.memory_space<semaphore_mem>>) src(%dma_wait3A_101 : memref<640x64xf32, #tpu.memory_space<vmem_shared>>) dst(%dma_wait3A_99 : memref<640x64xf32, #tpu.memory_space<hbm>>)
      tpu.yield
    }) : () -> ()
    return
  }
}

#map = affine_map<(d0, d1) -> (0, 0, 0)>
#map1 = affine_map<(d0, d1) -> (0, 0)>
module attributes {stable_mosaic.version = 14 : i64} {
  func.func @_seg_sum_body(%arg0: i32, %arg1: i32, %arg2: memref<2x10000x64xf32, #tpu.memory_space<hbm>>, %arg3: memref<16x20000xi32, #tpu.memory_space<hbm>>, %arg4: memref<16x20000xi32, #tpu.memory_space<hbm>>, %arg5: memref<128x64xf32, #tpu.memory_space<hbm>>, %arg6: memref<2x10240x64xf32, #tpu.memory_space<hbm>>, %arg7: memref<20000xi32, #tpu.memory_space<vmem>>, %arg8: memref<20000xi32, #tpu.memory_space<vmem>>, %arg9: memref<128x64xf32, #tpu.memory_space<vmem>>, %arg10: memref<128x64xf32, #tpu.memory_space<vmem>>, %arg11: memref<128x64xf32, #tpu.memory_space<vmem>>, %arg12: memref<128x64xf32, #tpu.memory_space<vmem>>, %arg13: memref<128x64xf32, #tpu.memory_space<vmem>>, %arg14: memref<128x64xf32, #tpu.memory_space<vmem>>, %arg15: memref<10240x64xf32, #tpu.memory_space<vmem_shared>>, %arg16: memref<!tpu.dma_semaphore, #tpu.memory_space<semaphore_mem>>, %arg17: memref<!tpu.dma_semaphore, #tpu.memory_space<semaphore_mem>>, %arg18: memref<!tpu.dma_semaphore, #tpu.memory_space<semaphore_mem>>, %arg19: memref<!tpu.dma_semaphore, #tpu.memory_space<semaphore_mem>>, %arg20: memref<!tpu.dma_semaphore, #tpu.memory_space<semaphore_mem>>, %arg21: memref<!tpu.dma_semaphore, #tpu.memory_space<semaphore_mem>>, %arg22: memref<!tpu.dma_semaphore, #tpu.memory_space<semaphore_mem>>, %arg23: memref<!tpu.dma_semaphore, #tpu.memory_space<semaphore_mem>>, %arg24: memref<!tpu.dma_semaphore, #tpu.memory_space<semaphore_mem>>, %arg25: memref<!tpu.dma_semaphore, #tpu.memory_space<semaphore_mem>>, %arg26: memref<!tpu.dma_semaphore, #tpu.memory_space<semaphore_mem>>, %arg27: memref<!tpu.dma_semaphore, #tpu.memory_space<semaphore_mem>>) attributes {dimension_semantics = [#tpu.dimension_semantics<core_parallel>, #tpu.dimension_semantics<subcore_parallel>], iteration_bounds = array<i64: 2, 16>, scalar_prefetch = 0 : i64, scratch_operands = 21 : i64, tpu.core_type = #tpu.core_type<sc_vector_subcore>, window_params = [{transform_indices = #map}, {transform_indices = #map1}, {transform_indices = #map1}, {transform_indices = #map1}, {transform_indices = #map}]} {
    "tpu.region"() ({
      %run_scoped3A = tpu.sem_alloc : memref<!tpu.dma_semaphore, #tpu.memory_space<semaphore_mem>>
      %dma_start3A_86 = arith.constant 0 : i32
      %dma_start3A_87 = tpu.memref_slice %arg3[%arg1, %dma_start3A_86] : memref<16x20000xi32, #tpu.memory_space<hbm>> -> memref<1x20000xi32, #tpu.memory_space<hbm>>
      %dma_start3A_88 = tpu.memref_squeeze %dma_start3A_87 : memref<1x20000xi32, #tpu.memory_space<hbm>> -> memref<20000xi32, #tpu.memory_space<hbm>>
      %dma_start3A_89 = arith.constant 0 : i32
      %dma_start3A_90 = tpu.memref_slice %arg3[%arg1, %dma_start3A_89] : memref<16x20000xi32, #tpu.memory_space<hbm>> -> memref<1x20000xi32, #tpu.memory_space<hbm>>
      %dma_start3A_91 = tpu.memref_squeeze %dma_start3A_90 : memref<1x20000xi32, #tpu.memory_space<hbm>> -> memref<20000xi32, #tpu.memory_space<hbm>>
      tpu.enqueue_dma source(%dma_start3A_91 : memref<20000xi32, #tpu.memory_space<hbm>>) target(%arg7 : memref<20000xi32, #tpu.memory_space<vmem>>) target_semaphore(%run_scoped3A : memref<!tpu.dma_semaphore, #tpu.memory_space<semaphore_mem>>)
      %dma_wait3A_92 = arith.constant 0 : i32
      %dma_wait3A_93 = tpu.memref_slice %arg3[%arg1, %dma_wait3A_92] : memref<16x20000xi32, #tpu.memory_space<hbm>> -> memref<1x20000xi32, #tpu.memory_space<hbm>>
      %dma_wait3A_94 = tpu.memref_squeeze %dma_wait3A_93 : memref<1x20000xi32, #tpu.memory_space<hbm>> -> memref<20000xi32, #tpu.memory_space<hbm>>
      %dma_wait3A_95 = arith.constant 0 : i32
      %dma_wait3A_96 = tpu.memref_slice %arg3[%arg1, %dma_wait3A_95] : memref<16x20000xi32, #tpu.memory_space<hbm>> -> memref<1x20000xi32, #tpu.memory_space<hbm>>
      %dma_wait3A_97 = tpu.memref_squeeze %dma_wait3A_96 : memref<1x20000xi32, #tpu.memory_space<hbm>> -> memref<20000xi32, #tpu.memory_space<hbm>>
      tpu.wait_dma2 semaphore(%run_scoped3A : memref<!tpu.dma_semaphore, #tpu.memory_space<semaphore_mem>>) src(%dma_wait3A_97 : memref<20000xi32, #tpu.memory_space<hbm>>) dst(%arg7 : memref<20000xi32, #tpu.memory_space<vmem>>)
      tpu.yield
    }) : () -> ()
    "tpu.region"() ({
      %run_scoped3A = tpu.sem_alloc : memref<!tpu.dma_semaphore, #tpu.memory_space<semaphore_mem>>
      %dma_start3A_86 = arith.constant 0 : i32
      %dma_start3A_87 = tpu.memref_slice %arg4[%arg1, %dma_start3A_86] : memref<16x20000xi32, #tpu.memory_space<hbm>> -> memref<1x20000xi32, #tpu.memory_space<hbm>>
      %dma_start3A_88 = tpu.memref_squeeze %dma_start3A_87 : memref<1x20000xi32, #tpu.memory_space<hbm>> -> memref<20000xi32, #tpu.memory_space<hbm>>
      %dma_start3A_89 = arith.constant 0 : i32
      %dma_start3A_90 = tpu.memref_slice %arg4[%arg1, %dma_start3A_89] : memref<16x20000xi32, #tpu.memory_space<hbm>> -> memref<1x20000xi32, #tpu.memory_space<hbm>>
      %dma_start3A_91 = tpu.memref_squeeze %dma_start3A_90 : memref<1x20000xi32, #tpu.memory_space<hbm>> -> memref<20000xi32, #tpu.memory_space<hbm>>
      tpu.enqueue_dma source(%dma_start3A_91 : memref<20000xi32, #tpu.memory_space<hbm>>) target(%arg8 : memref<20000xi32, #tpu.memory_space<vmem>>) target_semaphore(%run_scoped3A : memref<!tpu.dma_semaphore, #tpu.memory_space<semaphore_mem>>)
      %dma_wait3A_92 = arith.constant 0 : i32
      %dma_wait3A_93 = tpu.memref_slice %arg4[%arg1, %dma_wait3A_92] : memref<16x20000xi32, #tpu.memory_space<hbm>> -> memref<1x20000xi32, #tpu.memory_space<hbm>>
      %dma_wait3A_94 = tpu.memref_squeeze %dma_wait3A_93 : memref<1x20000xi32, #tpu.memory_space<hbm>> -> memref<20000xi32, #tpu.memory_space<hbm>>
      %dma_wait3A_95 = arith.constant 0 : i32
      %dma_wait3A_96 = tpu.memref_slice %arg4[%arg1, %dma_wait3A_95] : memref<16x20000xi32, #tpu.memory_space<hbm>> -> memref<1x20000xi32, #tpu.memory_space<hbm>>
      %dma_wait3A_97 = tpu.memref_squeeze %dma_wait3A_96 : memref<1x20000xi32, #tpu.memory_space<hbm>> -> memref<20000xi32, #tpu.memory_space<hbm>>
      tpu.wait_dma2 semaphore(%run_scoped3A : memref<!tpu.dma_semaphore, #tpu.memory_space<semaphore_mem>>) src(%dma_wait3A_97 : memref<20000xi32, #tpu.memory_space<hbm>>) dst(%arg8 : memref<20000xi32, #tpu.memory_space<vmem>>)
      tpu.yield
    }) : () -> ()
    "tpu.region"() ({
      %run_scoped3A = tpu.sem_alloc : memref<!tpu.dma_semaphore, #tpu.memory_space<semaphore_mem>>
      tpu.enqueue_dma source(%arg5 : memref<128x64xf32, #tpu.memory_space<hbm>>) target(%arg9 : memref<128x64xf32, #tpu.memory_space<vmem>>) target_semaphore(%run_scoped3A : memref<!tpu.dma_semaphore, #tpu.memory_space<semaphore_mem>>)
      tpu.wait_dma2 semaphore(%run_scoped3A : memref<!tpu.dma_semaphore, #tpu.memory_space<semaphore_mem>>) src(%arg5 : memref<128x64xf32, #tpu.memory_space<hbm>>) dst(%arg9 : memref<128x64xf32, #tpu.memory_space<vmem>>)
      tpu.yield
    }) : () -> ()
    %mul3A = arith.constant 640 : i32
    %mul3A_0 = arith.muli %arg1, %mul3A : i32
    %add3A = arith.constant 0 : i32
    %add3A_1 = arith.addi %mul3A_0, %add3A : i32
    "tpu.region"() ({
      %run_scoped3A = tpu.sem_alloc : memref<!tpu.dma_semaphore, #tpu.memory_space<semaphore_mem>>
      %dma_start3A_86 = arith.constant 0 : i32
      %dma_start3A_87 = tpu.memref_slice %arg15[%add3A_1, %dma_start3A_86] : memref<10240x64xf32, #tpu.memory_space<vmem_shared>> -> memref<128x64xf32, #tpu.memory_space<vmem_shared>>
      %dma_start3A_88 = arith.constant 0 : i32
      %dma_start3A_89 = tpu.memref_slice %arg15[%add3A_1, %dma_start3A_88] : memref<10240x64xf32, #tpu.memory_space<vmem_shared>> -> memref<128x64xf32, #tpu.memory_space<vmem_shared>>
      tpu.enqueue_dma source(%arg9 : memref<128x64xf32, #tpu.memory_space<vmem>>) target(%dma_start3A_89 : memref<128x64xf32, #tpu.memory_space<vmem_shared>>) target_semaphore(%run_scoped3A : memref<!tpu.dma_semaphore, #tpu.memory_space<semaphore_mem>>)
      %dma_wait3A_90 = arith.constant 0 : i32
      %dma_wait3A_91 = tpu.memref_slice %arg15[%add3A_1, %dma_wait3A_90] : memref<10240x64xf32, #tpu.memory_space<vmem_shared>> -> memref<128x64xf32, #tpu.memory_space<vmem_shared>>
      %dma_wait3A_92 = arith.constant 0 : i32
      %dma_wait3A_93 = tpu.memref_slice %arg15[%add3A_1, %dma_wait3A_92] : memref<10240x64xf32, #tpu.memory_space<vmem_shared>> -> memref<128x64xf32, #tpu.memory_space<vmem_shared>>
      tpu.wait_dma2 semaphore(%run_scoped3A : memref<!tpu.dma_semaphore, #tpu.memory_space<semaphore_mem>>) src(%arg9 : memref<128x64xf32, #tpu.memory_space<vmem>>) dst(%dma_wait3A_93 : memref<128x64xf32, #tpu.memory_space<vmem_shared>>)
      tpu.yield
    }) : () -> ()
    %mul3A_2 = arith.constant 640 : i32
    %mul3A_3 = arith.muli %arg1, %mul3A_2 : i32
    %add3A_4 = arith.constant 128 : i32
    %add3A_5 = arith.addi %mul3A_3, %add3A_4 : i32
    "tpu.region"() ({
      %run_scoped3A = tpu.sem_alloc : memref<!tpu.dma_semaphore, #tpu.memory_space<semaphore_mem>>
      %dma_start3A_86 = arith.constant 0 : i32
      %dma_start3A_87 = tpu.memref_slice %arg15[%add3A_5, %dma_start3A_86] : memref<10240x64xf32, #tpu.memory_space<vmem_shared>> -> memref<128x64xf32, #tpu.memory_space<vmem_shared>>
      %dma_start3A_88 = arith.constant 0 : i32
      %dma_start3A_89 = tpu.memref_slice %arg15[%add3A_5, %dma_start3A_88] : memref<10240x64xf32, #tpu.memory_space<vmem_shared>> -> memref<128x64xf32, #tpu.memory_space<vmem_shared>>
      tpu.enqueue_dma source(%arg9 : memref<128x64xf32, #tpu.memory_space<vmem>>) target(%dma_start3A_89 : memref<128x64xf32, #tpu.memory_space<vmem_shared>>) target_semaphore(%run_scoped3A : memref<!tpu.dma_semaphore, #tpu.memory_space<semaphore_mem>>)
      %dma_wait3A_90 = arith.constant 0 : i32
      %dma_wait3A_91 = tpu.memref_slice %arg15[%add3A_5, %dma_wait3A_90] : memref<10240x64xf32, #tpu.memory_space<vmem_shared>> -> memref<128x64xf32, #tpu.memory_space<vmem_shared>>
      %dma_wait3A_92 = arith.constant 0 : i32
      %dma_wait3A_93 = tpu.memref_slice %arg15[%add3A_5, %dma_wait3A_92] : memref<10240x64xf32, #tpu.memory_space<vmem_shared>> -> memref<128x64xf32, #tpu.memory_space<vmem_shared>>
      tpu.wait_dma2 semaphore(%run_scoped3A : memref<!tpu.dma_semaphore, #tpu.memory_space<semaphore_mem>>) src(%arg9 : memref<128x64xf32, #tpu.memory_space<vmem>>) dst(%dma_wait3A_93 : memref<128x64xf32, #tpu.memory_space<vmem_shared>>)
      tpu.yield
    }) : () -> ()
    %mul3A_6 = arith.constant 640 : i32
    %mul3A_7 = arith.muli %arg1, %mul3A_6 : i32
    %add3A_8 = arith.constant 256 : i32
    %add3A_9 = arith.addi %mul3A_7, %add3A_8 : i32
    "tpu.region"() ({
      %run_scoped3A = tpu.sem_alloc : memref<!tpu.dma_semaphore, #tpu.memory_space<semaphore_mem>>
      %dma_start3A_86 = arith.constant 0 : i32
      %dma_start3A_87 = tpu.memref_slice %arg15[%add3A_9, %dma_start3A_86] : memref<10240x64xf32, #tpu.memory_space<vmem_shared>> -> memref<128x64xf32, #tpu.memory_space<vmem_shared>>
      %dma_start3A_88 = arith.constant 0 : i32
      %dma_start3A_89 = tpu.memref_slice %arg15[%add3A_9, %dma_start3A_88] : memref<10240x64xf32, #tpu.memory_space<vmem_shared>> -> memref<128x64xf32, #tpu.memory_space<vmem_shared>>
      tpu.enqueue_dma source(%arg9 : memref<128x64xf32, #tpu.memory_space<vmem>>) target(%dma_start3A_89 : memref<128x64xf32, #tpu.memory_space<vmem_shared>>) target_semaphore(%run_scoped3A : memref<!tpu.dma_semaphore, #tpu.memory_space<semaphore_mem>>)
      %dma_wait3A_90 = arith.constant 0 : i32
      %dma_wait3A_91 = tpu.memref_slice %arg15[%add3A_9, %dma_wait3A_90] : memref<10240x64xf32, #tpu.memory_space<vmem_shared>> -> memref<128x64xf32, #tpu.memory_space<vmem_shared>>
      %dma_wait3A_92 = arith.constant 0 : i32
      %dma_wait3A_93 = tpu.memref_slice %arg15[%add3A_9, %dma_wait3A_92] : memref<10240x64xf32, #tpu.memory_space<vmem_shared>> -> memref<128x64xf32, #tpu.memory_space<vmem_shared>>
      tpu.wait_dma2 semaphore(%run_scoped3A : memref<!tpu.dma_semaphore, #tpu.memory_space<semaphore_mem>>) src(%arg9 : memref<128x64xf32, #tpu.memory_space<vmem>>) dst(%dma_wait3A_93 : memref<128x64xf32, #tpu.memory_space<vmem_shared>>)
      tpu.yield
    }) : () -> ()
    %mul3A_10 = arith.constant 640 : i32
    %mul3A_11 = arith.muli %arg1, %mul3A_10 : i32
    %add3A_12 = arith.constant 384 : i32
    %add3A_13 = arith.addi %mul3A_11, %add3A_12 : i32
    "tpu.region"() ({
      %run_scoped3A = tpu.sem_alloc : memref<!tpu.dma_semaphore, #tpu.memory_space<semaphore_mem>>
      %dma_start3A_86 = arith.constant 0 : i32
      %dma_start3A_87 = tpu.memref_slice %arg15[%add3A_13, %dma_start3A_86] : memref<10240x64xf32, #tpu.memory_space<vmem_shared>> -> memref<128x64xf32, #tpu.memory_space<vmem_shared>>
      %dma_start3A_88 = arith.constant 0 : i32
      %dma_start3A_89 = tpu.memref_slice %arg15[%add3A_13, %dma_start3A_88] : memref<10240x64xf32, #tpu.memory_space<vmem_shared>> -> memref<128x64xf32, #tpu.memory_space<vmem_shared>>
      tpu.enqueue_dma source(%arg9 : memref<128x64xf32, #tpu.memory_space<vmem>>) target(%dma_start3A_89 : memref<128x64xf32, #tpu.memory_space<vmem_shared>>) target_semaphore(%run_scoped3A : memref<!tpu.dma_semaphore, #tpu.memory_space<semaphore_mem>>)
      %dma_wait3A_90 = arith.constant 0 : i32
      %dma_wait3A_91 = tpu.memref_slice %arg15[%add3A_13, %dma_wait3A_90] : memref<10240x64xf32, #tpu.memory_space<vmem_shared>> -> memref<128x64xf32, #tpu.memory_space<vmem_shared>>
      %dma_wait3A_92 = arith.constant 0 : i32
      %dma_wait3A_93 = tpu.memref_slice %arg15[%add3A_13, %dma_wait3A_92] : memref<10240x64xf32, #tpu.memory_space<vmem_shared>> -> memref<128x64xf32, #tpu.memory_space<vmem_shared>>
      tpu.wait_dma2 semaphore(%run_scoped3A : memref<!tpu.dma_semaphore, #tpu.memory_space<semaphore_mem>>) src(%arg9 : memref<128x64xf32, #tpu.memory_space<vmem>>) dst(%dma_wait3A_93 : memref<128x64xf32, #tpu.memory_space<vmem_shared>>)
      tpu.yield
    }) : () -> ()
    %mul3A_14 = arith.constant 640 : i32
    %mul3A_15 = arith.muli %arg1, %mul3A_14 : i32
    %add3A_16 = arith.constant 512 : i32
    %add3A_17 = arith.addi %mul3A_15, %add3A_16 : i32
    "tpu.region"() ({
      %run_scoped3A = tpu.sem_alloc : memref<!tpu.dma_semaphore, #tpu.memory_space<semaphore_mem>>
      %dma_start3A_86 = arith.constant 0 : i32
      %dma_start3A_87 = tpu.memref_slice %arg15[%add3A_17, %dma_start3A_86] : memref<10240x64xf32, #tpu.memory_space<vmem_shared>> -> memref<128x64xf32, #tpu.memory_space<vmem_shared>>
      %dma_start3A_88 = arith.constant 0 : i32
      %dma_start3A_89 = tpu.memref_slice %arg15[%add3A_17, %dma_start3A_88] : memref<10240x64xf32, #tpu.memory_space<vmem_shared>> -> memref<128x64xf32, #tpu.memory_space<vmem_shared>>
      tpu.enqueue_dma source(%arg9 : memref<128x64xf32, #tpu.memory_space<vmem>>) target(%dma_start3A_89 : memref<128x64xf32, #tpu.memory_space<vmem_shared>>) target_semaphore(%run_scoped3A : memref<!tpu.dma_semaphore, #tpu.memory_space<semaphore_mem>>)
      %dma_wait3A_90 = arith.constant 0 : i32
      %dma_wait3A_91 = tpu.memref_slice %arg15[%add3A_17, %dma_wait3A_90] : memref<10240x64xf32, #tpu.memory_space<vmem_shared>> -> memref<128x64xf32, #tpu.memory_space<vmem_shared>>
      %dma_wait3A_92 = arith.constant 0 : i32
      %dma_wait3A_93 = tpu.memref_slice %arg15[%add3A_17, %dma_wait3A_92] : memref<10240x64xf32, #tpu.memory_space<vmem_shared>> -> memref<128x64xf32, #tpu.memory_space<vmem_shared>>
      tpu.wait_dma2 semaphore(%run_scoped3A : memref<!tpu.dma_semaphore, #tpu.memory_space<semaphore_mem>>) src(%arg9 : memref<128x64xf32, #tpu.memory_space<vmem>>) dst(%dma_wait3A_93 : memref<128x64xf32, #tpu.memory_space<vmem_shared>>)
      tpu.yield
    }) : () -> ()
    %barrier3A = arith.constant 0 : index
    tpu.barrier barrier_id(%barrier3A)
    %dma_start3A = arith.constant 0 : i32
    %dma_start3A_18 = tpu.memref_slice %arg7[%dma_start3A] : memref<20000xi32, #tpu.memory_space<vmem>> -> memref<128xi32, #tpu.memory_space<vmem>>
    %dma_start3A_19 = arith.constant 0 : i32
    %dma_start3A_20 = arith.constant 0 : i32
    %dma_start3A_21 = tpu.memref_slice %arg2[%arg0, %dma_start3A_19, %dma_start3A_20] : memref<2x10000x64xf32, #tpu.memory_space<hbm>> -> memref<1x10000x64xf32, #tpu.memory_space<hbm>>
    %dma_start3A_22 = tpu.memref_squeeze %dma_start3A_21 : memref<1x10000x64xf32, #tpu.memory_space<hbm>> -> memref<10000x64xf32, #tpu.memory_space<hbm>>
    %dma_start3A_23 = arith.constant 0 : i32
    %dma_start3A_24 = arith.constant 0 : i32
    %dma_start3A_25 = tpu.memref_slice %dma_start3A_22[%dma_start3A_23, %dma_start3A_24] : memref<10000x64xf32, #tpu.memory_space<hbm>> -> memref<10000x64xf32, #tpu.memory_space<hbm>>
    tpu.enqueue_indirect_dma source(%dma_start3A_25 : memref<10000x64xf32, #tpu.memory_space<hbm>>) target(%arg9 : memref<128x64xf32, #tpu.memory_space<vmem>>) offsets(%dma_start3A_18 : memref<128xi32, #tpu.memory_space<vmem>>) semaphore(%arg16 : memref<!tpu.dma_semaphore, #tpu.memory_space<semaphore_mem>>)
    %dma_start3A_26 = arith.constant 128 : i32
    %dma_start3A_27 = tpu.memref_slice %arg7[%dma_start3A_26] : memref<20000xi32, #tpu.memory_space<vmem>> -> memref<128xi32, #tpu.memory_space<vmem>>
    %dma_start3A_28 = arith.constant 0 : i32
    %dma_start3A_29 = arith.constant 0 : i32
    %dma_start3A_30 = tpu.memref_slice %arg2[%arg0, %dma_start3A_28, %dma_start3A_29] : memref<2x10000x64xf32, #tpu.memory_space<hbm>> -> memref<1x10000x64xf32, #tpu.memory_space<hbm>>
    %dma_start3A_31 = tpu.memref_squeeze %dma_start3A_30 : memref<1x10000x64xf32, #tpu.memory_space<hbm>> -> memref<10000x64xf32, #tpu.memory_space<hbm>>
    %dma_start3A_32 = arith.constant 0 : i32
    %dma_start3A_33 = arith.constant 0 : i32
    %dma_start3A_34 = tpu.memref_slice %dma_start3A_31[%dma_start3A_32, %dma_start3A_33] : memref<10000x64xf32, #tpu.memory_space<hbm>> -> memref<10000x64xf32, #tpu.memory_space<hbm>>
    tpu.enqueue_indirect_dma source(%dma_start3A_34 : memref<10000x64xf32, #tpu.memory_space<hbm>>) target(%arg10 : memref<128x64xf32, #tpu.memory_space<vmem>>) offsets(%dma_start3A_27 : memref<128xi32, #tpu.memory_space<vmem>>) semaphore(%arg17 : memref<!tpu.dma_semaphore, #tpu.memory_space<semaphore_mem>>)
    %dma_start3A_35 = arith.constant 256 : i32
    %dma_start3A_36 = tpu.memref_slice %arg7[%dma_start3A_35] : memref<20000xi32, #tpu.memory_space<vmem>> -> memref<128xi32, #tpu.memory_space<vmem>>
    %dma_start3A_37 = arith.constant 0 : i32
    %dma_start3A_38 = arith.constant 0 : i32
    %dma_start3A_39 = tpu.memref_slice %arg2[%arg0, %dma_start3A_37, %dma_start3A_38] : memref<2x10000x64xf32, #tpu.memory_space<hbm>> -> memref<1x10000x64xf32, #tpu.memory_space<hbm>>
    %dma_start3A_40 = tpu.memref_squeeze %dma_start3A_39 : memref<1x10000x64xf32, #tpu.memory_space<hbm>> -> memref<10000x64xf32, #tpu.memory_space<hbm>>
    %dma_start3A_41 = arith.constant 0 : i32
    %dma_start3A_42 = arith.constant 0 : i32
    %dma_start3A_43 = tpu.memref_slice %dma_start3A_40[%dma_start3A_41, %dma_start3A_42] : memref<10000x64xf32, #tpu.memory_space<hbm>> -> memref<10000x64xf32, #tpu.memory_space<hbm>>
    tpu.enqueue_indirect_dma source(%dma_start3A_43 : memref<10000x64xf32, #tpu.memory_space<hbm>>) target(%arg11 : memref<128x64xf32, #tpu.memory_space<vmem>>) offsets(%dma_start3A_36 : memref<128xi32, #tpu.memory_space<vmem>>) semaphore(%arg18 : memref<!tpu.dma_semaphore, #tpu.memory_space<semaphore_mem>>)
    %dma_start3A_44 = arith.constant 384 : i32
    %dma_start3A_45 = tpu.memref_slice %arg7[%dma_start3A_44] : memref<20000xi32, #tpu.memory_space<vmem>> -> memref<128xi32, #tpu.memory_space<vmem>>
    %dma_start3A_46 = arith.constant 0 : i32
    %dma_start3A_47 = arith.constant 0 : i32
    %dma_start3A_48 = tpu.memref_slice %arg2[%arg0, %dma_start3A_46, %dma_start3A_47] : memref<2x10000x64xf32, #tpu.memory_space<hbm>> -> memref<1x10000x64xf32, #tpu.memory_space<hbm>>
    %dma_start3A_49 = tpu.memref_squeeze %dma_start3A_48 : memref<1x10000x64xf32, #tpu.memory_space<hbm>> -> memref<10000x64xf32, #tpu.memory_space<hbm>>
    %dma_start3A_50 = arith.constant 0 : i32
    %dma_start3A_51 = arith.constant 0 : i32
    %dma_start3A_52 = tpu.memref_slice %dma_start3A_49[%dma_start3A_50, %dma_start3A_51] : memref<10000x64xf32, #tpu.memory_space<hbm>> -> memref<10000x64xf32, #tpu.memory_space<hbm>>
    tpu.enqueue_indirect_dma source(%dma_start3A_52 : memref<10000x64xf32, #tpu.memory_space<hbm>>) target(%arg12 : memref<128x64xf32, #tpu.memory_space<vmem>>) offsets(%dma_start3A_45 : memref<128xi32, #tpu.memory_space<vmem>>) semaphore(%arg19 : memref<!tpu.dma_semaphore, #tpu.memory_space<semaphore_mem>>)
    %scan3A = arith.constant 0 : i32
    %scan3A_53 = arith.constant 0 : i32
    %scan3A_54 = arith.constant 26 : i32
    %scan3A_55 = arith.addi %scan3A_53, %scan3A_54 : i32
    %scan3A_56 = arith.constant 1 : i32
    scf.for %scan3A_86 = %scan3A_53 to %scan3A_55 step %scan3A_56  : i32 {
      %mul3A_87 = arith.constant 6 : i32
      %mul3A_88 = arith.muli %scan3A_86, %mul3A_87 : i32
      %add3A_89 = arith.constant 0 : i32
      %add3A_90 = arith.addi %mul3A_88, %add3A_89 : i32
      tpu.wait_dma2 semaphore(%arg16 : memref<!tpu.dma_semaphore, #tpu.memory_space<semaphore_mem>>) src(%arg5 : memref<128x64xf32, #tpu.memory_space<hbm>>) dst(%arg9 : memref<128x64xf32, #tpu.memory_space<vmem>>)
      %mul3A_91 = arith.constant 128 : i32
      %mul3A_92 = arith.muli %add3A_90, %mul3A_91 : i32
      %dma_start3A_93 = tpu.memref_slice %arg8[%mul3A_92] : memref<20000xi32, #tpu.memory_space<vmem>> -> memref<128xi32, #tpu.memory_space<vmem>>
      %dma_start3A_94 = arith.constant 0 : i32
      %dma_start3A_95 = arith.constant 0 : i32
      %dma_start3A_96 = tpu.memref_slice %arg15[%dma_start3A_94, %dma_start3A_95] : memref<10240x64xf32, #tpu.memory_space<vmem_shared>> -> memref<10240x64xf32, #tpu.memory_space<vmem_shared>>
      tpu.enqueue_indirect_dma source(%arg9 : memref<128x64xf32, #tpu.memory_space<vmem>>) target(%dma_start3A_96 : memref<10240x64xf32, #tpu.memory_space<vmem_shared>>) offsets(%dma_start3A_93 : memref<128xi32, #tpu.memory_space<vmem>>) semaphore(%arg22 : memref<!tpu.dma_semaphore, #tpu.memory_space<semaphore_mem>>) {add = true}
      %add3A_97 = arith.constant 4 : i32
      %add3A_98 = arith.addi %add3A_90, %add3A_97 : i32
      %lt3A = arith.constant 156 : i32
      %lt3A_99 = arith.cmpi slt, %add3A_98, %lt3A : i32
      %convert_element_type3A = arith.extui %lt3A_99 : i1 to i32
      %cond3A = arith.constant 0 : i32
      %cond3A_100 = arith.cmpi ne, %convert_element_type3A, %cond3A : i32
      scf.if %cond3A_100 {
        %ge3A = arith.constant 2 : i32
        %ge3A_186 = arith.cmpi sge, %add3A_90, %ge3A : i32
        %convert_element_type3A_187 = arith.extui %ge3A_186 : i1 to i32
        %cond3A_188 = arith.constant 0 : i32
        %cond3A_189 = arith.cmpi ne, %convert_element_type3A_187, %cond3A_188 : i32
        scf.if %cond3A_189 {
          tpu.wait_dma2 semaphore(%arg26 : memref<!tpu.dma_semaphore, #tpu.memory_space<semaphore_mem>>) src(%arg5 : memref<128x64xf32, #tpu.memory_space<hbm>>) dst(%arg13 : memref<128x64xf32, #tpu.memory_space<vmem>>)
        } else {
        }
        %add3A_190 = arith.constant 4 : i32
        %add3A_191 = arith.addi %add3A_90, %add3A_190 : i32
        %mul3A_192 = arith.constant 128 : i32
        %mul3A_193 = arith.muli %add3A_191, %mul3A_192 : i32
        %dma_start3A_194 = tpu.memref_slice %arg7[%mul3A_193] : memref<20000xi32, #tpu.memory_space<vmem>> -> memref<128xi32, #tpu.memory_space<vmem>>
        %dma_start3A_195 = arith.constant 0 : i32
        %dma_start3A_196 = arith.constant 0 : i32
        %dma_start3A_197 = tpu.memref_slice %arg2[%arg0, %dma_start3A_195, %dma_start3A_196] : memref<2x10000x64xf32, #tpu.memory_space<hbm>> -> memref<1x10000x64xf32, #tpu.memory_space<hbm>>
        %dma_start3A_198 = tpu.memref_squeeze %dma_start3A_197 : memref<1x10000x64xf32, #tpu.memory_space<hbm>> -> memref<10000x64xf32, #tpu.memory_space<hbm>>
        %dma_start3A_199 = arith.constant 0 : i32
        %dma_start3A_200 = arith.constant 0 : i32
        %dma_start3A_201 = tpu.memref_slice %dma_start3A_198[%dma_start3A_199, %dma_start3A_200] : memref<10000x64xf32, #tpu.memory_space<hbm>> -> memref<10000x64xf32, #tpu.memory_space<hbm>>
        tpu.enqueue_indirect_dma source(%dma_start3A_201 : memref<10000x64xf32, #tpu.memory_space<hbm>>) target(%arg13 : memref<128x64xf32, #tpu.memory_space<vmem>>) offsets(%dma_start3A_194 : memref<128xi32, #tpu.memory_space<vmem>>) semaphore(%arg20 : memref<!tpu.dma_semaphore, #tpu.memory_space<semaphore_mem>>)
      } else {
      }
      %mul3A_101 = arith.constant 6 : i32
      %mul3A_102 = arith.muli %scan3A_86, %mul3A_101 : i32
      %add3A_103 = arith.constant 1 : i32
      %add3A_104 = arith.addi %mul3A_102, %add3A_103 : i32
      tpu.wait_dma2 semaphore(%arg17 : memref<!tpu.dma_semaphore, #tpu.memory_space<semaphore_mem>>) src(%arg5 : memref<128x64xf32, #tpu.memory_space<hbm>>) dst(%arg10 : memref<128x64xf32, #tpu.memory_space<vmem>>)
      %mul3A_105 = arith.constant 128 : i32
      %mul3A_106 = arith.muli %add3A_104, %mul3A_105 : i32
      %dma_start3A_107 = tpu.memref_slice %arg8[%mul3A_106] : memref<20000xi32, #tpu.memory_space<vmem>> -> memref<128xi32, #tpu.memory_space<vmem>>
      %dma_start3A_108 = arith.constant 0 : i32
      %dma_start3A_109 = arith.constant 0 : i32
      %dma_start3A_110 = tpu.memref_slice %arg15[%dma_start3A_108, %dma_start3A_109] : memref<10240x64xf32, #tpu.memory_space<vmem_shared>> -> memref<10240x64xf32, #tpu.memory_space<vmem_shared>>
      tpu.enqueue_indirect_dma source(%arg10 : memref<128x64xf32, #tpu.memory_space<vmem>>) target(%dma_start3A_110 : memref<10240x64xf32, #tpu.memory_space<vmem_shared>>) offsets(%dma_start3A_107 : memref<128xi32, #tpu.memory_space<vmem>>) semaphore(%arg23 : memref<!tpu.dma_semaphore, #tpu.memory_space<semaphore_mem>>) {add = true}
      %add3A_111 = arith.constant 4 : i32
      %add3A_112 = arith.addi %add3A_104, %add3A_111 : i32
      %lt3A_113 = arith.constant 156 : i32
      %lt3A_114 = arith.cmpi slt, %add3A_112, %lt3A_113 : i32
      %convert_element_type3A_115 = arith.extui %lt3A_114 : i1 to i32
      %cond3A_116 = arith.constant 0 : i32
      %cond3A_117 = arith.cmpi ne, %convert_element_type3A_115, %cond3A_116 : i32
      scf.if %cond3A_117 {
        %ge3A = arith.constant 2 : i32
        %ge3A_186 = arith.cmpi sge, %add3A_104, %ge3A : i32
        %convert_element_type3A_187 = arith.extui %ge3A_186 : i1 to i32
        %cond3A_188 = arith.constant 0 : i32
        %cond3A_189 = arith.cmpi ne, %convert_element_type3A_187, %cond3A_188 : i32
        scf.if %cond3A_189 {
          tpu.wait_dma2 semaphore(%arg27 : memref<!tpu.dma_semaphore, #tpu.memory_space<semaphore_mem>>) src(%arg5 : memref<128x64xf32, #tpu.memory_space<hbm>>) dst(%arg14 : memref<128x64xf32, #tpu.memory_space<vmem>>)
        } else {
        }
        %add3A_190 = arith.constant 4 : i32
        %add3A_191 = arith.addi %add3A_104, %add3A_190 : i32
        %mul3A_192 = arith.constant 128 : i32
        %mul3A_193 = arith.muli %add3A_191, %mul3A_192 : i32
        %dma_start3A_194 = tpu.memref_slice %arg7[%mul3A_193] : memref<20000xi32, #tpu.memory_space<vmem>> -> memref<128xi32, #tpu.memory_space<vmem>>
        %dma_start3A_195 = arith.constant 0 : i32
        %dma_start3A_196 = arith.constant 0 : i32
        %dma_start3A_197 = tpu.memref_slice %arg2[%arg0, %dma_start3A_195, %dma_start3A_196] : memref<2x10000x64xf32, #tpu.memory_space<hbm>> -> memref<1x10000x64xf32, #tpu.memory_space<hbm>>
        %dma_start3A_198 = tpu.memref_squeeze %dma_start3A_197 : memref<1x10000x64xf32, #tpu.memory_space<hbm>> -> memref<10000x64xf32, #tpu.memory_space<hbm>>
        %dma_start3A_199 = arith.constant 0 : i32
        %dma_start3A_200 = arith.constant 0 : i32
        %dma_start3A_201 = tpu.memref_slice %dma_start3A_198[%dma_start3A_199, %dma_start3A_200] : memref<10000x64xf32, #tpu.memory_space<hbm>> -> memref<10000x64xf32, #tpu.memory_space<hbm>>
        tpu.enqueue_indirect_dma source(%dma_start3A_201 : memref<10000x64xf32, #tpu.memory_space<hbm>>) target(%arg14 : memref<128x64xf32, #tpu.memory_space<vmem>>) offsets(%dma_start3A_194 : memref<128xi32, #tpu.memory_space<vmem>>) semaphore(%arg21 : memref<!tpu.dma_semaphore, #tpu.memory_space<semaphore_mem>>)
      } else {
      }
      %mul3A_118 = arith.constant 6 : i32
      %mul3A_119 = arith.muli %scan3A_86, %mul3A_118 : i32
      %add3A_120 = arith.constant 2 : i32
      %add3A_121 = arith.addi %mul3A_119, %add3A_120 : i32
      tpu.wait_dma2 semaphore(%arg18 : memref<!tpu.dma_semaphore, #tpu.memory_space<semaphore_mem>>) src(%arg5 : memref<128x64xf32, #tpu.memory_space<hbm>>) dst(%arg11 : memref<128x64xf32, #tpu.memory_space<vmem>>)
      %mul3A_122 = arith.constant 128 : i32
      %mul3A_123 = arith.muli %add3A_121, %mul3A_122 : i32
      %dma_start3A_124 = tpu.memref_slice %arg8[%mul3A_123] : memref<20000xi32, #tpu.memory_space<vmem>> -> memref<128xi32, #tpu.memory_space<vmem>>
      %dma_start3A_125 = arith.constant 0 : i32
      %dma_start3A_126 = arith.constant 0 : i32
      %dma_start3A_127 = tpu.memref_slice %arg15[%dma_start3A_125, %dma_start3A_126] : memref<10240x64xf32, #tpu.memory_space<vmem_shared>> -> memref<10240x64xf32, #tpu.memory_space<vmem_shared>>
      tpu.enqueue_indirect_dma source(%arg11 : memref<128x64xf32, #tpu.memory_space<vmem>>) target(%dma_start3A_127 : memref<10240x64xf32, #tpu.memory_space<vmem_shared>>) offsets(%dma_start3A_124 : memref<128xi32, #tpu.memory_space<vmem>>) semaphore(%arg24 : memref<!tpu.dma_semaphore, #tpu.memory_space<semaphore_mem>>) {add = true}
      %add3A_128 = arith.constant 4 : i32
      %add3A_129 = arith.addi %add3A_121, %add3A_128 : i32
      %lt3A_130 = arith.constant 156 : i32
      %lt3A_131 = arith.cmpi slt, %add3A_129, %lt3A_130 : i32
      %convert_element_type3A_132 = arith.extui %lt3A_131 : i1 to i32
      %cond3A_133 = arith.constant 0 : i32
      %cond3A_134 = arith.cmpi ne, %convert_element_type3A_132, %cond3A_133 : i32
      scf.if %cond3A_134 {
        %ge3A = arith.constant 2 : i32
        %ge3A_186 = arith.cmpi sge, %add3A_121, %ge3A : i32
        %convert_element_type3A_187 = arith.extui %ge3A_186 : i1 to i32
        %cond3A_188 = arith.constant 0 : i32
        %cond3A_189 = arith.cmpi ne, %convert_element_type3A_187, %cond3A_188 : i32
        scf.if %cond3A_189 {
          tpu.wait_dma2 semaphore(%arg22 : memref<!tpu.dma_semaphore, #tpu.memory_space<semaphore_mem>>) src(%arg5 : memref<128x64xf32, #tpu.memory_space<hbm>>) dst(%arg9 : memref<128x64xf32, #tpu.memory_space<vmem>>)
        } else {
        }
        %add3A_190 = arith.constant 4 : i32
        %add3A_191 = arith.addi %add3A_121, %add3A_190 : i32
        %mul3A_192 = arith.constant 128 : i32
        %mul3A_193 = arith.muli %add3A_191, %mul3A_192 : i32
        %dma_start3A_194 = tpu.memref_slice %arg7[%mul3A_193] : memref<20000xi32, #tpu.memory_space<vmem>> -> memref<128xi32, #tpu.memory_space<vmem>>
        %dma_start3A_195 = arith.constant 0 : i32
        %dma_start3A_196 = arith.constant 0 : i32
        %dma_start3A_197 = tpu.memref_slice %arg2[%arg0, %dma_start3A_195, %dma_start3A_196] : memref<2x10000x64xf32, #tpu.memory_space<hbm>> -> memref<1x10000x64xf32, #tpu.memory_space<hbm>>
        %dma_start3A_198 = tpu.memref_squeeze %dma_start3A_197 : memref<1x10000x64xf32, #tpu.memory_space<hbm>> -> memref<10000x64xf32, #tpu.memory_space<hbm>>
        %dma_start3A_199 = arith.constant 0 : i32
        %dma_start3A_200 = arith.constant 0 : i32
        %dma_start3A_201 = tpu.memref_slice %dma_start3A_198[%dma_start3A_199, %dma_start3A_200] : memref<10000x64xf32, #tpu.memory_space<hbm>> -> memref<10000x64xf32, #tpu.memory_space<hbm>>
        tpu.enqueue_indirect_dma source(%dma_start3A_201 : memref<10000x64xf32, #tpu.memory_space<hbm>>) target(%arg9 : memref<128x64xf32, #tpu.memory_space<vmem>>) offsets(%dma_start3A_194 : memref<128xi32, #tpu.memory_space<vmem>>) semaphore(%arg16 : memref<!tpu.dma_semaphore, #tpu.memory_space<semaphore_mem>>)
      } else {
      }
      %mul3A_135 = arith.constant 6 : i32
      %mul3A_136 = arith.muli %scan3A_86, %mul3A_135 : i32
      %add3A_137 = arith.constant 3 : i32
      %add3A_138 = arith.addi %mul3A_136, %add3A_137 : i32
      tpu.wait_dma2 semaphore(%arg19 : memref<!tpu.dma_semaphore, #tpu.memory_space<semaphore_mem>>) src(%arg5 : memref<128x64xf32, #tpu.memory_space<hbm>>) dst(%arg12 : memref<128x64xf32, #tpu.memory_space<vmem>>)
      %mul3A_139 = arith.constant 128 : i32
      %mul3A_140 = arith.muli %add3A_138, %mul3A_139 : i32
      %dma_start3A_141 = tpu.memref_slice %arg8[%mul3A_140] : memref<20000xi32, #tpu.memory_space<vmem>> -> memref<128xi32, #tpu.memory_space<vmem>>
      %dma_start3A_142 = arith.constant 0 : i32
      %dma_start3A_143 = arith.constant 0 : i32
      %dma_start3A_144 = tpu.memref_slice %arg15[%dma_start3A_142, %dma_start3A_143] : memref<10240x64xf32, #tpu.memory_space<vmem_shared>> -> memref<10240x64xf32, #tpu.memory_space<vmem_shared>>
      tpu.enqueue_indirect_dma source(%arg12 : memref<128x64xf32, #tpu.memory_space<vmem>>) target(%dma_start3A_144 : memref<10240x64xf32, #tpu.memory_space<vmem_shared>>) offsets(%dma_start3A_141 : memref<128xi32, #tpu.memory_space<vmem>>) semaphore(%arg25 : memref<!tpu.dma_semaphore, #tpu.memory_space<semaphore_mem>>) {add = true}
      %add3A_145 = arith.constant 4 : i32
      %add3A_146 = arith.addi %add3A_138, %add3A_145 : i32
      %lt3A_147 = arith.constant 156 : i32
      %lt3A_148 = arith.cmpi slt, %add3A_146, %lt3A_147 : i32
      %convert_element_type3A_149 = arith.extui %lt3A_148 : i1 to i32
      %cond3A_150 = arith.constant 0 : i32
      %cond3A_151 = arith.cmpi ne, %convert_element_type3A_149, %cond3A_150 : i32
      scf.if %cond3A_151 {
        %ge3A = arith.constant 2 : i32
        %ge3A_186 = arith.cmpi sge, %add3A_138, %ge3A : i32
        %convert_element_type3A_187 = arith.extui %ge3A_186 : i1 to i32
        %cond3A_188 = arith.constant 0 : i32
        %cond3A_189 = arith.cmpi ne, %convert_element_type3A_187, %cond3A_188 : i32
        scf.if %cond3A_189 {
          tpu.wait_dma2 semaphore(%arg23 : memref<!tpu.dma_semaphore, #tpu.memory_space<semaphore_mem>>) src(%arg5 : memref<128x64xf32, #tpu.memory_space<hbm>>) dst(%arg10 : memref<128x64xf32, #tpu.memory_space<vmem>>)
        } else {
        }
        %add3A_190 = arith.constant 4 : i32
        %add3A_191 = arith.addi %add3A_138, %add3A_190 : i32
        %mul3A_192 = arith.constant 128 : i32
        %mul3A_193 = arith.muli %add3A_191, %mul3A_192 : i32
        %dma_start3A_194 = tpu.memref_slice %arg7[%mul3A_193] : memref<20000xi32, #tpu.memory_space<vmem>> -> memref<128xi32, #tpu.memory_space<vmem>>
        %dma_start3A_195 = arith.constant 0 : i32
        %dma_start3A_196 = arith.constant 0 : i32
        %dma_start3A_197 = tpu.memref_slice %arg2[%arg0, %dma_start3A_195, %dma_start3A_196] : memref<2x10000x64xf32, #tpu.memory_space<hbm>> -> memref<1x10000x64xf32, #tpu.memory_space<hbm>>
        %dma_start3A_198 = tpu.memref_squeeze %dma_start3A_197 : memref<1x10000x64xf32, #tpu.memory_space<hbm>> -> memref<10000x64xf32, #tpu.memory_space<hbm>>
        %dma_start3A_199 = arith.constant 0 : i32
        %dma_start3A_200 = arith.constant 0 : i32
        %dma_start3A_201 = tpu.memref_slice %dma_start3A_198[%dma_start3A_199, %dma_start3A_200] : memref<10000x64xf32, #tpu.memory_space<hbm>> -> memref<10000x64xf32, #tpu.memory_space<hbm>>
        tpu.enqueue_indirect_dma source(%dma_start3A_201 : memref<10000x64xf32, #tpu.memory_space<hbm>>) target(%arg10 : memref<128x64xf32, #tpu.memory_space<vmem>>) offsets(%dma_start3A_194 : memref<128xi32, #tpu.memory_space<vmem>>) semaphore(%arg17 : memref<!tpu.dma_semaphore, #tpu.memory_space<semaphore_mem>>)
      } else {
      }
      %mul3A_152 = arith.constant 6 : i32
      %mul3A_153 = arith.muli %scan3A_86, %mul3A_152 : i32
      %add3A_154 = arith.constant 4 : i32
      %add3A_155 = arith.addi %mul3A_153, %add3A_154 : i32
      tpu.wait_dma2 semaphore(%arg20 : memref<!tpu.dma_semaphore, #tpu.memory_space<semaphore_mem>>) src(%arg5 : memref<128x64xf32, #tpu.memory_space<hbm>>) dst(%arg13 : memref<128x64xf32, #tpu.memory_space<vmem>>)
      %mul3A_156 = arith.constant 128 : i32
      %mul3A_157 = arith.muli %add3A_155, %mul3A_156 : i32
      %dma_start3A_158 = tpu.memref_slice %arg8[%mul3A_157] : memref<20000xi32, #tpu.memory_space<vmem>> -> memref<128xi32, #tpu.memory_space<vmem>>
      %dma_start3A_159 = arith.constant 0 : i32
      %dma_start3A_160 = arith.constant 0 : i32
      %dma_start3A_161 = tpu.memref_slice %arg15[%dma_start3A_159, %dma_start3A_160] : memref<10240x64xf32, #tpu.memory_space<vmem_shared>> -> memref<10240x64xf32, #tpu.memory_space<vmem_shared>>
      tpu.enqueue_indirect_dma source(%arg13 : memref<128x64xf32, #tpu.memory_space<vmem>>) target(%dma_start3A_161 : memref<10240x64xf32, #tpu.memory_space<vmem_shared>>) offsets(%dma_start3A_158 : memref<128xi32, #tpu.memory_space<vmem>>) semaphore(%arg26 : memref<!tpu.dma_semaphore, #tpu.memory_space<semaphore_mem>>) {add = true}
      %add3A_162 = arith.constant 4 : i32
      %add3A_163 = arith.addi %add3A_155, %add3A_162 : i32
      %lt3A_164 = arith.constant 156 : i32
      %lt3A_165 = arith.cmpi slt, %add3A_163, %lt3A_164 : i32
      %convert_element_type3A_166 = arith.extui %lt3A_165 : i1 to i32
      %cond3A_167 = arith.constant 0 : i32
      %cond3A_168 = arith.cmpi ne, %convert_element_type3A_166, %cond3A_167 : i32
      scf.if %cond3A_168 {
        %ge3A = arith.constant 2 : i32
        %ge3A_186 = arith.cmpi sge, %add3A_155, %ge3A : i32
        %convert_element_type3A_187 = arith.extui %ge3A_186 : i1 to i32
        %cond3A_188 = arith.constant 0 : i32
        %cond3A_189 = arith.cmpi ne, %convert_element_type3A_187, %cond3A_188 : i32
        scf.if %cond3A_189 {
          tpu.wait_dma2 semaphore(%arg24 : memref<!tpu.dma_semaphore, #tpu.memory_space<semaphore_mem>>) src(%arg5 : memref<128x64xf32, #tpu.memory_space<hbm>>) dst(%arg11 : memref<128x64xf32, #tpu.memory_space<vmem>>)
        } else {
        }
        %add3A_190 = arith.constant 4 : i32
        %add3A_191 = arith.addi %add3A_155, %add3A_190 : i32
        %mul3A_192 = arith.constant 128 : i32
        %mul3A_193 = arith.muli %add3A_191, %mul3A_192 : i32
        %dma_start3A_194 = tpu.memref_slice %arg7[%mul3A_193] : memref<20000xi32, #tpu.memory_space<vmem>> -> memref<128xi32, #tpu.memory_space<vmem>>
        %dma_start3A_195 = arith.constant 0 : i32
        %dma_start3A_196 = arith.constant 0 : i32
        %dma_start3A_197 = tpu.memref_slice %arg2[%arg0, %dma_start3A_195, %dma_start3A_196] : memref<2x10000x64xf32, #tpu.memory_space<hbm>> -> memref<1x10000x64xf32, #tpu.memory_space<hbm>>
        %dma_start3A_198 = tpu.memref_squeeze %dma_start3A_197 : memref<1x10000x64xf32, #tpu.memory_space<hbm>> -> memref<10000x64xf32, #tpu.memory_space<hbm>>
        %dma_start3A_199 = arith.constant 0 : i32
        %dma_start3A_200 = arith.constant 0 : i32
        %dma_start3A_201 = tpu.memref_slice %dma_start3A_198[%dma_start3A_199, %dma_start3A_200] : memref<10000x64xf32, #tpu.memory_space<hbm>> -> memref<10000x64xf32, #tpu.memory_space<hbm>>
        tpu.enqueue_indirect_dma source(%dma_start3A_201 : memref<10000x64xf32, #tpu.memory_space<hbm>>) target(%arg11 : memref<128x64xf32, #tpu.memory_space<vmem>>) offsets(%dma_start3A_194 : memref<128xi32, #tpu.memory_space<vmem>>) semaphore(%arg18 : memref<!tpu.dma_semaphore, #tpu.memory_space<semaphore_mem>>)
      } else {
      }
      %mul3A_169 = arith.constant 6 : i32
      %mul3A_170 = arith.muli %scan3A_86, %mul3A_169 : i32
      %add3A_171 = arith.constant 5 : i32
      %add3A_172 = arith.addi %mul3A_170, %add3A_171 : i32
      tpu.wait_dma2 semaphore(%arg21 : memref<!tpu.dma_semaphore, #tpu.memory_space<semaphore_mem>>) src(%arg5 : memref<128x64xf32, #tpu.memory_space<hbm>>) dst(%arg14 : memref<128x64xf32, #tpu.memory_space<vmem>>)
      %mul3A_173 = arith.constant 128 : i32
      %mul3A_174 = arith.muli %add3A_172, %mul3A_173 : i32
      %dma_start3A_175 = tpu.memref_slice %arg8[%mul3A_174] : memref<20000xi32, #tpu.memory_space<vmem>> -> memref<128xi32, #tpu.memory_space<vmem>>
      %dma_start3A_176 = arith.constant 0 : i32
      %dma_start3A_177 = arith.constant 0 : i32
      %dma_start3A_178 = tpu.memref_slice %arg15[%dma_start3A_176, %dma_start3A_177] : memref<10240x64xf32, #tpu.memory_space<vmem_shared>> -> memref<10240x64xf32, #tpu.memory_space<vmem_shared>>
      tpu.enqueue_indirect_dma source(%arg14 : memref<128x64xf32, #tpu.memory_space<vmem>>) target(%dma_start3A_178 : memref<10240x64xf32, #tpu.memory_space<vmem_shared>>) offsets(%dma_start3A_175 : memref<128xi32, #tpu.memory_space<vmem>>) semaphore(%arg27 : memref<!tpu.dma_semaphore, #tpu.memory_space<semaphore_mem>>) {add = true}
      %add3A_179 = arith.constant 4 : i32
      %add3A_180 = arith.addi %add3A_172, %add3A_179 : i32
      %lt3A_181 = arith.constant 156 : i32
      %lt3A_182 = arith.cmpi slt, %add3A_180, %lt3A_181 : i32
      %convert_element_type3A_183 = arith.extui %lt3A_182 : i1 to i32
      %cond3A_184 = arith.constant 0 : i32
      %cond3A_185 = arith.cmpi ne, %convert_element_type3A_183, %cond3A_184 : i32
      scf.if %cond3A_185 {
        %ge3A = arith.constant 2 : i32
        %ge3A_186 = arith.cmpi sge, %add3A_172, %ge3A : i32
        %convert_element_type3A_187 = arith.extui %ge3A_186 : i1 to i32
        %cond3A_188 = arith.constant 0 : i32
        %cond3A_189 = arith.cmpi ne, %convert_element_type3A_187, %cond3A_188 : i32
        scf.if %cond3A_189 {
          tpu.wait_dma2 semaphore(%arg25 : memref<!tpu.dma_semaphore, #tpu.memory_space<semaphore_mem>>) src(%arg5 : memref<128x64xf32, #tpu.memory_space<hbm>>) dst(%arg12 : memref<128x64xf32, #tpu.memory_space<vmem>>)
        } else {
        }
        %add3A_190 = arith.constant 4 : i32
        %add3A_191 = arith.addi %add3A_172, %add3A_190 : i32
        %mul3A_192 = arith.constant 128 : i32
        %mul3A_193 = arith.muli %add3A_191, %mul3A_192 : i32
        %dma_start3A_194 = tpu.memref_slice %arg7[%mul3A_193] : memref<20000xi32, #tpu.memory_space<vmem>> -> memref<128xi32, #tpu.memory_space<vmem>>
        %dma_start3A_195 = arith.constant 0 : i32
        %dma_start3A_196 = arith.constant 0 : i32
        %dma_start3A_197 = tpu.memref_slice %arg2[%arg0, %dma_start3A_195, %dma_start3A_196] : memref<2x10000x64xf32, #tpu.memory_space<hbm>> -> memref<1x10000x64xf32, #tpu.memory_space<hbm>>
        %dma_start3A_198 = tpu.memref_squeeze %dma_start3A_197 : memref<1x10000x64xf32, #tpu.memory_space<hbm>> -> memref<10000x64xf32, #tpu.memory_space<hbm>>
        %dma_start3A_199 = arith.constant 0 : i32
        %dma_start3A_200 = arith.constant 0 : i32
        %dma_start3A_201 = tpu.memref_slice %dma_start3A_198[%dma_start3A_199, %dma_start3A_200] : memref<10000x64xf32, #tpu.memory_space<hbm>> -> memref<10000x64xf32, #tpu.memory_space<hbm>>
        tpu.enqueue_indirect_dma source(%dma_start3A_201 : memref<10000x64xf32, #tpu.memory_space<hbm>>) target(%arg12 : memref<128x64xf32, #tpu.memory_space<vmem>>) offsets(%dma_start3A_194 : memref<128xi32, #tpu.memory_space<vmem>>) semaphore(%arg19 : memref<!tpu.dma_semaphore, #tpu.memory_space<semaphore_mem>>)
      } else {
      }
    }
    %scan3A_57 = arith.constant 26 : i32
    tpu.wait_dma2 semaphore(%arg22 : memref<!tpu.dma_semaphore, #tpu.memory_space<semaphore_mem>>) src(%arg5 : memref<128x64xf32, #tpu.memory_space<hbm>>) dst(%arg9 : memref<128x64xf32, #tpu.memory_space<vmem>>)
    tpu.wait_dma2 semaphore(%arg23 : memref<!tpu.dma_semaphore, #tpu.memory_space<semaphore_mem>>) src(%arg5 : memref<128x64xf32, #tpu.memory_space<hbm>>) dst(%arg10 : memref<128x64xf32, #tpu.memory_space<vmem>>)
    tpu.wait_dma2 semaphore(%arg24 : memref<!tpu.dma_semaphore, #tpu.memory_space<semaphore_mem>>) src(%arg5 : memref<128x64xf32, #tpu.memory_space<hbm>>) dst(%arg11 : memref<128x64xf32, #tpu.memory_space<vmem>>)
    tpu.wait_dma2 semaphore(%arg25 : memref<!tpu.dma_semaphore, #tpu.memory_space<semaphore_mem>>) src(%arg5 : memref<128x64xf32, #tpu.memory_space<hbm>>) dst(%arg12 : memref<128x64xf32, #tpu.memory_space<vmem>>)
    tpu.wait_dma2 semaphore(%arg26 : memref<!tpu.dma_semaphore, #tpu.memory_space<semaphore_mem>>) src(%arg5 : memref<128x64xf32, #tpu.memory_space<hbm>>) dst(%arg13 : memref<128x64xf32, #tpu.memory_space<vmem>>)
    tpu.wait_dma2 semaphore(%arg27 : memref<!tpu.dma_semaphore, #tpu.memory_space<semaphore_mem>>) src(%arg5 : memref<128x64xf32, #tpu.memory_space<hbm>>) dst(%arg14 : memref<128x64xf32, #tpu.memory_space<vmem>>)
    %dma_start3A_58 = arith.constant 0 : i32
    %dma_start3A_59 = arith.constant 0 : i32
    %dma_start3A_60 = tpu.memref_slice %arg9[%dma_start3A_58, %dma_start3A_59] : memref<128x64xf32, #tpu.memory_space<vmem>> -> memref<32x64xf32, #tpu.memory_space<vmem>>
    %dma_start3A_61 = arith.constant 19968 : i32
    %dma_start3A_62 = tpu.memref_slice %arg7[%dma_start3A_61] : memref<20000xi32, #tpu.memory_space<vmem>> -> memref<32xi32, #tpu.memory_space<vmem>>
    %dma_start3A_63 = arith.constant 0 : i32
    %dma_start3A_64 = arith.constant 0 : i32
    %dma_start3A_65 = tpu.memref_slice %arg2[%arg0, %dma_start3A_63, %dma_start3A_64] : memref<2x10000x64xf32, #tpu.memory_space<hbm>> -> memref<1x10000x64xf32, #tpu.memory_space<hbm>>
    %dma_start3A_66 = tpu.memref_squeeze %dma_start3A_65 : memref<1x10000x64xf32, #tpu.memory_space<hbm>> -> memref<10000x64xf32, #tpu.memory_space<hbm>>
    %dma_start3A_67 = arith.constant 0 : i32
    %dma_start3A_68 = arith.constant 0 : i32
    %dma_start3A_69 = tpu.memref_slice %dma_start3A_66[%dma_start3A_67, %dma_start3A_68] : memref<10000x64xf32, #tpu.memory_space<hbm>> -> memref<10000x64xf32, #tpu.memory_space<hbm>>
    tpu.enqueue_indirect_dma source(%dma_start3A_69 : memref<10000x64xf32, #tpu.memory_space<hbm>>) target(%dma_start3A_60 : memref<32x64xf32, #tpu.memory_space<vmem>>) offsets(%dma_start3A_62 : memref<32xi32, #tpu.memory_space<vmem>>) semaphore(%arg16 : memref<!tpu.dma_semaphore, #tpu.memory_space<semaphore_mem>>)
    %dma_wait3A = arith.constant 0 : i32
    %dma_wait3A_70 = arith.constant 0 : i32
    %dma_wait3A_71 = tpu.memref_slice %arg9[%dma_wait3A, %dma_wait3A_70] : memref<128x64xf32, #tpu.memory_space<vmem>> -> memref<32x64xf32, #tpu.memory_space<vmem>>
    %dma_wait3A_72 = arith.constant 19968 : i32
    %dma_wait3A_73 = tpu.memref_slice %arg7[%dma_wait3A_72] : memref<20000xi32, #tpu.memory_space<vmem>> -> memref<32xi32, #tpu.memory_space<vmem>>
    %dma_wait3A_74 = arith.constant 0 : i32
    %dma_wait3A_75 = arith.constant 0 : i32
    %dma_wait3A_76 = tpu.memref_slice %arg2[%arg0, %dma_wait3A_74, %dma_wait3A_75] : memref<2x10000x64xf32, #tpu.memory_space<hbm>> -> memref<1x10000x64xf32, #tpu.memory_space<hbm>>
    %dma_wait3A_77 = tpu.memref_squeeze %dma_wait3A_76 : memref<1x10000x64xf32, #tpu.memory_space<hbm>> -> memref<10000x64xf32, #tpu.memory_space<hbm>>
    %dma_wait3A_78 = arith.constant 0 : i32
    %dma_wait3A_79 = arith.constant 0 : i32
    %dma_wait3A_80 = tpu.memref_slice %dma_wait3A_77[%dma_wait3A_78, %dma_wait3A_79] : memref<10000x64xf32, #tpu.memory_space<hbm>> -> memref<10000x64xf32, #tpu.memory_space<hbm>>
    tpu.wait_indirect_dma semaphore(%arg16 : memref<!tpu.dma_semaphore, #tpu.memory_space<semaphore_mem>>) src(%dma_wait3A_80 : memref<10000x64xf32, #tpu.memory_space<hbm>>) dst(%dma_wait3A_71 : memref<32x64xf32, #tpu.memory_space<vmem>>)
    "tpu.region"() ({
      %run_scoped3A = tpu.sem_alloc : memref<!tpu.dma_semaphore, #tpu.memory_space<semaphore_mem>>
      %dma_start3A_86 = arith.constant 0 : i32
      %dma_start3A_87 = arith.constant 0 : i32
      %dma_start3A_88 = tpu.memref_slice %arg9[%dma_start3A_86, %dma_start3A_87] : memref<128x64xf32, #tpu.memory_space<vmem>> -> memref<32x64xf32, #tpu.memory_space<vmem>>
      %dma_start3A_89 = arith.constant 19968 : i32
      %dma_start3A_90 = tpu.memref_slice %arg8[%dma_start3A_89] : memref<20000xi32, #tpu.memory_space<vmem>> -> memref<32xi32, #tpu.memory_space<vmem>>
      %dma_start3A_91 = arith.constant 0 : i32
      %dma_start3A_92 = arith.constant 0 : i32
      %dma_start3A_93 = tpu.memref_slice %arg15[%dma_start3A_91, %dma_start3A_92] : memref<10240x64xf32, #tpu.memory_space<vmem_shared>> -> memref<10240x64xf32, #tpu.memory_space<vmem_shared>>
      tpu.enqueue_indirect_dma source(%dma_start3A_88 : memref<32x64xf32, #tpu.memory_space<vmem>>) target(%dma_start3A_93 : memref<10240x64xf32, #tpu.memory_space<vmem_shared>>) offsets(%dma_start3A_90 : memref<32xi32, #tpu.memory_space<vmem>>) semaphore(%run_scoped3A : memref<!tpu.dma_semaphore, #tpu.memory_space<semaphore_mem>>) {add = true}
      %dma_wait3A_94 = arith.constant 0 : i32
      %dma_wait3A_95 = arith.constant 0 : i32
      %dma_wait3A_96 = tpu.memref_slice %arg9[%dma_wait3A_94, %dma_wait3A_95] : memref<128x64xf32, #tpu.memory_space<vmem>> -> memref<32x64xf32, #tpu.memory_space<vmem>>
      %dma_wait3A_97 = arith.constant 19968 : i32
      %dma_wait3A_98 = tpu.memref_slice %arg8[%dma_wait3A_97] : memref<20000xi32, #tpu.memory_space<vmem>> -> memref<32xi32, #tpu.memory_space<vmem>>
      %dma_wait3A_99 = arith.constant 0 : i32
      %dma_wait3A_100 = arith.constant 0 : i32
      %dma_wait3A_101 = tpu.memref_slice %arg15[%dma_wait3A_99, %dma_wait3A_100] : memref<10240x64xf32, #tpu.memory_space<vmem_shared>> -> memref<10240x64xf32, #tpu.memory_space<vmem_shared>>
      tpu.wait_indirect_dma semaphore(%run_scoped3A : memref<!tpu.dma_semaphore, #tpu.memory_space<semaphore_mem>>) src(%dma_wait3A_96 : memref<32x64xf32, #tpu.memory_space<vmem>>) dst(%dma_wait3A_101 : memref<10240x64xf32, #tpu.memory_space<vmem_shared>>)
      tpu.yield
    }) : () -> ()
    %barrier3A_81 = arith.constant 0 : index
    tpu.barrier barrier_id(%barrier3A_81)
    %mul3A_82 = arith.constant 640 : i32
    %mul3A_83 = arith.muli %arg1, %mul3A_82 : i32
    %mul3A_84 = arith.constant 640 : i32
    %mul3A_85 = arith.muli %arg1, %mul3A_84 : i32
    "tpu.region"() ({
      %run_scoped3A = tpu.sem_alloc : memref<!tpu.dma_semaphore, #tpu.memory_space<semaphore_mem>>
      %dma_start3A_86 = arith.constant 0 : i32
      %dma_start3A_87 = arith.constant 0 : i32
      %dma_start3A_88 = tpu.memref_slice %arg6[%arg0, %dma_start3A_86, %dma_start3A_87] : memref<2x10240x64xf32, #tpu.memory_space<hbm>> -> memref<1x10240x64xf32, #tpu.memory_space<hbm>>
      %dma_start3A_89 = tpu.memref_squeeze %dma_start3A_88 : memref<1x10240x64xf32, #tpu.memory_space<hbm>> -> memref<10240x64xf32, #tpu.memory_space<hbm>>
      %dma_start3A_90 = arith.constant 0 : i32
      %dma_start3A_91 = tpu.memref_slice %dma_start3A_89[%mul3A_85, %dma_start3A_90] : memref<10240x64xf32, #tpu.memory_space<hbm>> -> memref<640x64xf32, #tpu.memory_space<hbm>>
      %dma_start3A_92 = arith.constant 0 : i32
      %dma_start3A_93 = tpu.memref_slice %arg15[%mul3A_83, %dma_start3A_92] : memref<10240x64xf32, #tpu.memory_space<vmem_shared>> -> memref<640x64xf32, #tpu.memory_space<vmem_shared>>
      tpu.enqueue_dma source(%dma_start3A_93 : memref<640x64xf32, #tpu.memory_space<vmem_shared>>) target(%dma_start3A_91 : memref<640x64xf32, #tpu.memory_space<hbm>>) target_semaphore(%run_scoped3A : memref<!tpu.dma_semaphore, #tpu.memory_space<semaphore_mem>>)
      %dma_wait3A_94 = arith.constant 0 : i32
      %dma_wait3A_95 = arith.constant 0 : i32
      %dma_wait3A_96 = tpu.memref_slice %arg6[%arg0, %dma_wait3A_94, %dma_wait3A_95] : memref<2x10240x64xf32, #tpu.memory_space<hbm>> -> memref<1x10240x64xf32, #tpu.memory_space<hbm>>
      %dma_wait3A_97 = tpu.memref_squeeze %dma_wait3A_96 : memref<1x10240x64xf32, #tpu.memory_space<hbm>> -> memref<10240x64xf32, #tpu.memory_space<hbm>>
      %dma_wait3A_98 = arith.constant 0 : i32
      %dma_wait3A_99 = tpu.memref_slice %dma_wait3A_97[%mul3A_85, %dma_wait3A_98] : memref<10240x64xf32, #tpu.memory_space<hbm>> -> memref<640x64xf32, #tpu.memory_space<hbm>>
      %dma_wait3A_100 = arith.constant 0 : i32
      %dma_wait3A_101 = tpu.memref_slice %arg15[%mul3A_83, %dma_wait3A_100] : memref<10240x64xf32, #tpu.memory_space<vmem_shared>> -> memref<640x64xf32, #tpu.memory_space<vmem_shared>>
      tpu.wait_dma2 semaphore(%run_scoped3A : memref<!tpu.dma_semaphore, #tpu.memory_space<semaphore_mem>>) src(%dma_wait3A_101 : memref<640x64xf32, #tpu.memory_space<vmem_shared>>) dst(%dma_wait3A_99 : memref<640x64xf32, #tpu.memory_space<hbm>>)
      tpu.yield
    }) : () -> ()
    return
  }
}

module attributes {stable_mosaic.version = 14 : i64} {
  func.func @_tc1_body(%arg0: i32, %arg1: memref<1x1xf32, #tpu.memory_space<vmem>>, %arg2: memref<2000x128xf32, #tpu.memory_space<vmem>>, %arg3: memref<2x2000x64xf32, #tpu.memory_space<vmem>>, %arg4: memref<128x128xf32, #tpu.memory_space<vmem>>, %arg5: memref<1x128xf32, #tpu.memory_space<vmem>>, %arg6: memref<128x128xf32, #tpu.memory_space<vmem>>, %arg7: memref<1x128xf32, #tpu.memory_space<vmem>>, %arg8: memref<2x2000x64xf32, #tpu.memory_space<vmem>>) attributes {dimension_semantics = [#tpu.dimension_semantics<arbitrary>], iteration_bounds = array<i64: 5>, scalar_prefetch = 0 : i64, scratch_operands = 0 : i64, tpu.core_type = #tpu.core_type<tc>, window_params = [{pipeline_mode = #tpu.pipeline_mode<synchronous>, transform_indices = @transform_0, window_bounds = array<i64: 1, 1>}, {transform_indices = @transform_1, window_bounds = array<i64: 2000, 128>}, {transform_indices = @transform_2, window_bounds = array<i64: 2, 2000, 64>}, {pipeline_mode = #tpu.pipeline_mode<synchronous>, transform_indices = @transform_3, window_bounds = array<i64: 128, 128>}, {pipeline_mode = #tpu.pipeline_mode<synchronous>, transform_indices = @transform_4, window_bounds = array<i64: 1, 128>}, {pipeline_mode = #tpu.pipeline_mode<synchronous>, transform_indices = @transform_5, window_bounds = array<i64: 128, 128>}, {pipeline_mode = #tpu.pipeline_mode<synchronous>, transform_indices = @transform_6, window_bounds = array<i64: 1, 128>}, {transform_indices = @transform_7, window_bounds = array<i64: 2, 2000, 64>}]} {
    %get3A = arith.constant 0 : index
    %get3A_0 = arith.constant 0 : index
    %get3A_1 = vector.load %arg2[%get3A, %get3A_0] : memref<2000x128xf32, #tpu.memory_space<vmem>>, vector<2000x128xf32>
    %get3A_2 = arith.constant 0 : index
    %get3A_3 = arith.constant 0 : index
    %get3A_4 = vector.load %arg1[%get3A_2, %get3A_3] : memref<1x1xf32, #tpu.memory_space<vmem>>, vector<1x1xf32>
    %get3A_5 = vector.extract %get3A_4[0, 0] : f32 from vector<1x1xf32>
    %mul3A = vector.broadcast %get3A_5 : f32 to vector<2000x128xf32>
    %mul3A_6 = arith.mulf %get3A_1, %mul3A : vector<2000x128xf32>
    %get3A_7 = arith.constant 0 : index
    %get3A_8 = arith.constant 0 : index
    %get3A_9 = arith.constant 0 : index
    %get3A_10 = vector.load %arg3[%get3A_7, %get3A_8, %get3A_9] : memref<2x2000x64xf32, #tpu.memory_space<vmem>>, vector<1x2000x64xf32>
    %get3A_11 = vector.shape_cast %get3A_10 : vector<1x2000x64xf32> to vector<2000x64xf32>
    %get3A_12 = arith.constant 1 : index
    %get3A_13 = arith.constant 0 : index
    %get3A_14 = arith.constant 0 : index
    %get3A_15 = vector.load %arg3[%get3A_12, %get3A_13, %get3A_14] : memref<2x2000x64xf32, #tpu.memory_space<vmem>>, vector<1x2000x64xf32>
    %get3A_16 = vector.shape_cast %get3A_15 : vector<1x2000x64xf32> to vector<2000x64xf32>
    %concatenate3A = tpu.concatenate %get3A_11, %get3A_16 in 1 : vector<2000x64xf32>, vector<2000x64xf32> -> vector<2000x128xf32>
    %add3A = arith.addf %mul3A_6, %concatenate3A : vector<2000x128xf32>
    %get3A_17 = arith.constant 0 : index
    %get3A_18 = arith.constant 0 : index
    %get3A_19 = vector.load %arg4[%get3A_17, %get3A_18] : memref<128x128xf32, #tpu.memory_space<vmem>>, vector<128x128xf32>
    %dot_general3A = arith.constant dense<0.000000e+00> : vector<2000x128xf32>
    %dot_general3A_20 = tpu.matmul %add3A, %get3A_19, %dot_general3A {dimension_numbers = #tpu.dot_dimension_numbers<[1], [0], [0], [1], [0, 0, 1, 1], [], []>, transpose_lhs_hint = false} : vector<2000x128xf32>, vector<128x128xf32>, vector<2000x128xf32> -> vector<2000x128xf32>
    %get3A_21 = arith.constant 0 : index
    %get3A_22 = arith.constant 0 : index
    %get3A_23 = vector.load %arg5[%get3A_21, %get3A_22] : memref<1x128xf32, #tpu.memory_space<vmem>>, vector<1x128xf32>
    %add3A_24 = vector.broadcast %get3A_23 : vector<1x128xf32> to vector<2000x128xf32>
    %add3A_25 = arith.addf %dot_general3A_20, %add3A_24 : vector<2000x128xf32>
    %max3A = arith.constant 0.000000e+00 : f32
    %max3A_26 = vector.broadcast %max3A : f32 to vector<2000x128xf32>
    %max3A_27 = arith.maximumf %add3A_25, %max3A_26 : vector<2000x128xf32>
    %get3A_28 = arith.constant 0 : index
    %get3A_29 = arith.constant 0 : index
    %get3A_30 = vector.load %arg6[%get3A_28, %get3A_29] : memref<128x128xf32, #tpu.memory_space<vmem>>, vector<128x128xf32>
    %dot_general3A_31 = arith.constant dense<0.000000e+00> : vector<2000x128xf32>
    %dot_general3A_32 = tpu.matmul %max3A_27, %get3A_30, %dot_general3A_31 {dimension_numbers = #tpu.dot_dimension_numbers<[1], [0], [0], [1], [0, 0, 1, 1], [], []>, transpose_lhs_hint = false} : vector<2000x128xf32>, vector<128x128xf32>, vector<2000x128xf32> -> vector<2000x128xf32>
    %get3A_33 = arith.constant 0 : index
    %get3A_34 = arith.constant 0 : index
    %get3A_35 = vector.load %arg7[%get3A_33, %get3A_34] : memref<1x128xf32, #tpu.memory_space<vmem>>, vector<1x128xf32>
    %add3A_36 = vector.broadcast %get3A_35 : vector<1x128xf32> to vector<2000x128xf32>
    %add3A_37 = arith.addf %dot_general3A_32, %add3A_36 : vector<2000x128xf32>
    %max3A_38 = arith.constant 0.000000e+00 : f32
    %max3A_39 = vector.broadcast %max3A_38 : f32 to vector<2000x128xf32>
    %max3A_40 = arith.maximumf %add3A_37, %max3A_39 : vector<2000x128xf32>
    %slice3A = vector.extract_strided_slice %max3A_40 {offsets = [0, 0], sizes = [2000, 64], strides = [1, 1]} : vector<2000x128xf32> to vector<2000x64xf32>
    %swap3A = arith.constant 0 : index
    %swap3A_41 = arith.constant 0 : index
    %swap3A_42 = arith.constant 0 : index
    %swap3A_43 = vector.load %arg8[%swap3A, %swap3A_41, %swap3A_42] : memref<2x2000x64xf32, #tpu.memory_space<vmem>>, vector<1x2000x64xf32>
    %swap3A_44 = vector.shape_cast %swap3A_43 : vector<1x2000x64xf32> to vector<2000x64xf32>
    %swap3A_45 = vector.shape_cast %slice3A : vector<2000x64xf32> to vector<1x2000x64xf32>
    tpu.vector_store %arg8[%swap3A, %swap3A_41, %swap3A_42], %swap3A_45 {strides = array<i32>} : memref<2x2000x64xf32, #tpu.memory_space<vmem>>, vector<1x2000x64xf32>,
    %slice3A_46 = vector.extract_strided_slice %max3A_40 {offsets = [0, 64], sizes = [2000, 64], strides = [1, 1]} : vector<2000x128xf32> to vector<2000x64xf32>
    %swap3A_47 = arith.constant 1 : index
    %swap3A_48 = arith.constant 0 : index
    %swap3A_49 = arith.constant 0 : index
    %swap3A_50 = vector.load %arg8[%swap3A_47, %swap3A_48, %swap3A_49] : memref<2x2000x64xf32, #tpu.memory_space<vmem>>, vector<1x2000x64xf32>
    %swap3A_51 = vector.shape_cast %swap3A_50 : vector<1x2000x64xf32> to vector<2000x64xf32>
    %swap3A_52 = vector.shape_cast %slice3A_46 : vector<2000x64xf32> to vector<1x2000x64xf32>
    tpu.vector_store %arg8[%swap3A_47, %swap3A_48, %swap3A_49], %swap3A_52 {strides = array<i32>} : memref<2x2000x64xf32, #tpu.memory_space<vmem>>, vector<1x2000x64xf32>,
    return
  }
  func.func @transform_0(%arg0: i32) -> (i32, i32) {
    %c0_i32 = arith.constant 0 : i32
    %c0_i32_0 = arith.constant 0 : i32
    %c0_i32_1 = arith.constant 0 : i32
    return %c0_i32, %c0_i32_0 : i32, i32
  }
  func.func @transform_1(%arg0: i32) -> (i32, i32) {
    %c0_i32 = arith.constant 0 : i32
    %c0_i32_0 = arith.constant 0 : i32
    return %arg0, %c0_i32 : i32, i32
  }
  func.func @transform_2(%arg0: i32) -> (i32, i32, i32) {
    %c0_i32 = arith.constant 0 : i32
    %c0_i32_0 = arith.constant 0 : i32
    %c0_i32_1 = arith.constant 0 : i32
    return %c0_i32, %arg0, %c0_i32_0 : i32, i32, i32
  }
  func.func @transform_3(%arg0: i32) -> (i32, i32) {
    %c0_i32 = arith.constant 0 : i32
    %c0_i32_0 = arith.constant 0 : i32
    %c0_i32_1 = arith.constant 0 : i32
    return %c0_i32, %c0_i32_0 : i32, i32
  }
  func.func @transform_4(%arg0: i32) -> (i32, i32) {
    %c0_i32 = arith.constant 0 : i32
    %c0_i32_0 = arith.constant 0 : i32
    %c0_i32_1 = arith.constant 0 : i32
    return %c0_i32, %c0_i32_0 : i32, i32
  }
  func.func @transform_5(%arg0: i32) -> (i32, i32) {
    %c0_i32 = arith.constant 0 : i32
    %c0_i32_0 = arith.constant 0 : i32
    %c0_i32_1 = arith.constant 0 : i32
    return %c0_i32, %c0_i32_0 : i32, i32
  }
  func.func @transform_6(%arg0: i32) -> (i32, i32) {
    %c0_i32 = arith.constant 0 : i32
    %c0_i32_0 = arith.constant 0 : i32
    %c0_i32_1 = arith.constant 0 : i32
    return %c0_i32, %c0_i32_0 : i32, i32
  }
  func.func @transform_7(%arg0: i32) -> (i32, i32, i32) {
    %c0_i32 = arith.constant 0 : i32
    %c0_i32_0 = arith.constant 0 : i32
    %c0_i32_1 = arith.constant 0 : i32
    return %c0_i32, %arg0, %c0_i32_0 : i32, i32, i32
  }
}

module attributes {stable_mosaic.version = 14 : i64} {
  func.func @_tc2_body(%arg0: i32, %arg1: memref<1x1xf32, #tpu.memory_space<vmem>>, %arg2: memref<2x2000x64xf32, #tpu.memory_space<vmem>>, %arg3: memref<2x2000x64xf32, #tpu.memory_space<vmem>>, %arg4: memref<128x128xf32, #tpu.memory_space<vmem>>, %arg5: memref<1x128xf32, #tpu.memory_space<vmem>>, %arg6: memref<128x128xf32, #tpu.memory_space<vmem>>, %arg7: memref<1x128xf32, #tpu.memory_space<vmem>>, %arg8: memref<128x128xf32, #tpu.memory_space<vmem>>, %arg9: memref<1x128xf32, #tpu.memory_space<vmem>>, %arg10: memref<128x128xf32, #tpu.memory_space<vmem>>, %arg11: memref<1x128xf32, #tpu.memory_space<vmem>>, %arg12: memref<2000x128xf32, #tpu.memory_space<vmem>>) attributes {dimension_semantics = [#tpu.dimension_semantics<arbitrary>], iteration_bounds = array<i64: 5>, scalar_prefetch = 0 : i64, scratch_operands = 0 : i64, tpu.core_type = #tpu.core_type<tc>, window_params = [{pipeline_mode = #tpu.pipeline_mode<synchronous>, transform_indices = @transform_0, window_bounds = array<i64: 1, 1>}, {transform_indices = @transform_1, window_bounds = array<i64: 2, 2000, 64>}, {transform_indices = @transform_2, window_bounds = array<i64: 2, 2000, 64>}, {pipeline_mode = #tpu.pipeline_mode<synchronous>, transform_indices = @transform_3, window_bounds = array<i64: 128, 128>}, {pipeline_mode = #tpu.pipeline_mode<synchronous>, transform_indices = @transform_4, window_bounds = array<i64: 1, 128>}, {pipeline_mode = #tpu.pipeline_mode<synchronous>, transform_indices = @transform_5, window_bounds = array<i64: 128, 128>}, {pipeline_mode = #tpu.pipeline_mode<synchronous>, transform_indices = @transform_6, window_bounds = array<i64: 1, 128>}, {pipeline_mode = #tpu.pipeline_mode<synchronous>, transform_indices = @transform_7, window_bounds = array<i64: 128, 128>}, {pipeline_mode = #tpu.pipeline_mode<synchronous>, transform_indices = @transform_8, window_bounds = array<i64: 1, 128>}, {pipeline_mode = #tpu.pipeline_mode<synchronous>, transform_indices = @transform_9, window_bounds = array<i64: 128, 128>}, {pipeline_mode = #tpu.pipeline_mode<synchronous>, transform_indices = @transform_10, window_bounds = array<i64: 1, 128>}, {transform_indices = @transform_11, window_bounds = array<i64: 2000, 128>}]} {
    %get3A = arith.constant 0 : index
    %get3A_0 = arith.constant 0 : index
    %get3A_1 = arith.constant 0 : index
    %get3A_2 = vector.load %arg2[%get3A, %get3A_0, %get3A_1] : memref<2x2000x64xf32, #tpu.memory_space<vmem>>, vector<1x2000x64xf32>
    %get3A_3 = vector.shape_cast %get3A_2 : vector<1x2000x64xf32> to vector<2000x64xf32>
    %get3A_4 = arith.constant 1 : index
    %get3A_5 = arith.constant 0 : index
    %get3A_6 = arith.constant 0 : index
    %get3A_7 = vector.load %arg2[%get3A_4, %get3A_5, %get3A_6] : memref<2x2000x64xf32, #tpu.memory_space<vmem>>, vector<1x2000x64xf32>
    %get3A_8 = vector.shape_cast %get3A_7 : vector<1x2000x64xf32> to vector<2000x64xf32>
    %concatenate3A = tpu.concatenate %get3A_3, %get3A_8 in 1 : vector<2000x64xf32>, vector<2000x64xf32> -> vector<2000x128xf32>
    %get3A_9 = arith.constant 0 : index
    %get3A_10 = arith.constant 0 : index
    %get3A_11 = vector.load %arg1[%get3A_9, %get3A_10] : memref<1x1xf32, #tpu.memory_space<vmem>>, vector<1x1xf32>
    %get3A_12 = vector.extract %get3A_11[0, 0] : f32 from vector<1x1xf32>
    %mul3A = vector.broadcast %get3A_12 : f32 to vector<2000x128xf32>
    %mul3A_13 = arith.mulf %concatenate3A, %mul3A : vector<2000x128xf32>
    %get3A_14 = arith.constant 0 : index
    %get3A_15 = arith.constant 0 : index
    %get3A_16 = arith.constant 0 : index
    %get3A_17 = vector.load %arg3[%get3A_14, %get3A_15, %get3A_16] : memref<2x2000x64xf32, #tpu.memory_space<vmem>>, vector<1x2000x64xf32>
    %get3A_18 = vector.shape_cast %get3A_17 : vector<1x2000x64xf32> to vector<2000x64xf32>
    %get3A_19 = arith.constant 1 : index
    %get3A_20 = arith.constant 0 : index
    %get3A_21 = arith.constant 0 : index
    %get3A_22 = vector.load %arg3[%get3A_19, %get3A_20, %get3A_21] : memref<2x2000x64xf32, #tpu.memory_space<vmem>>, vector<1x2000x64xf32>
    %get3A_23 = vector.shape_cast %get3A_22 : vector<1x2000x64xf32> to vector<2000x64xf32>
    %concatenate3A_24 = tpu.concatenate %get3A_18, %get3A_23 in 1 : vector<2000x64xf32>, vector<2000x64xf32> -> vector<2000x128xf32>
    %add3A = arith.addf %mul3A_13, %concatenate3A_24 : vector<2000x128xf32>
    %get3A_25 = arith.constant 0 : index
    %get3A_26 = arith.constant 0 : index
    %get3A_27 = vector.load %arg4[%get3A_25, %get3A_26] : memref<128x128xf32, #tpu.memory_space<vmem>>, vector<128x128xf32>
    %dot_general3A = arith.constant dense<0.000000e+00> : vector<2000x128xf32>
    %dot_general3A_28 = tpu.matmul %add3A, %get3A_27, %dot_general3A {dimension_numbers = #tpu.dot_dimension_numbers<[1], [0], [0], [1], [0, 0, 1, 1], [], []>, transpose_lhs_hint = false} : vector<2000x128xf32>, vector<128x128xf32>, vector<2000x128xf32> -> vector<2000x128xf32>
    %get3A_29 = arith.constant 0 : index
    %get3A_30 = arith.constant 0 : index
    %get3A_31 = vector.load %arg5[%get3A_29, %get3A_30] : memref<1x128xf32, #tpu.memory_space<vmem>>, vector<1x128xf32>
    %add3A_32 = vector.broadcast %get3A_31 : vector<1x128xf32> to vector<2000x128xf32>
    %add3A_33 = arith.addf %dot_general3A_28, %add3A_32 : vector<2000x128xf32>
    %max3A = arith.constant 0.000000e+00 : f32
    %max3A_34 = vector.broadcast %max3A : f32 to vector<2000x128xf32>
    %max3A_35 = arith.maximumf %add3A_33, %max3A_34 : vector<2000x128xf32>
    %get3A_36 = arith.constant 0 : index
    %get3A_37 = arith.constant 0 : index
    %get3A_38 = vector.load %arg6[%get3A_36, %get3A_37] : memref<128x128xf32, #tpu.memory_space<vmem>>, vector<128x128xf32>
    %dot_general3A_39 = arith.constant dense<0.000000e+00> : vector<2000x128xf32>
    %dot_general3A_40 = tpu.matmul %max3A_35, %get3A_38, %dot_general3A_39 {dimension_numbers = #tpu.dot_dimension_numbers<[1], [0], [0], [1], [0, 0, 1, 1], [], []>, transpose_lhs_hint = false} : vector<2000x128xf32>, vector<128x128xf32>, vector<2000x128xf32> -> vector<2000x128xf32>
    %get3A_41 = arith.constant 0 : index
    %get3A_42 = arith.constant 0 : index
    %get3A_43 = vector.load %arg7[%get3A_41, %get3A_42] : memref<1x128xf32, #tpu.memory_space<vmem>>, vector<1x128xf32>
    %add3A_44 = vector.broadcast %get3A_43 : vector<1x128xf32> to vector<2000x128xf32>
    %add3A_45 = arith.addf %dot_general3A_40, %add3A_44 : vector<2000x128xf32>
    %max3A_46 = arith.constant 0.000000e+00 : f32
    %max3A_47 = vector.broadcast %max3A_46 : f32 to vector<2000x128xf32>
    %max3A_48 = arith.maximumf %add3A_45, %max3A_47 : vector<2000x128xf32>
    %get3A_49 = arith.constant 0 : index
    %get3A_50 = arith.constant 0 : index
    %get3A_51 = vector.load %arg8[%get3A_49, %get3A_50] : memref<128x128xf32, #tpu.memory_space<vmem>>, vector<128x128xf32>
    %dot_general3A_52 = arith.constant dense<0.000000e+00> : vector<2000x128xf32>
    %dot_general3A_53 = tpu.matmul %max3A_48, %get3A_51, %dot_general3A_52 {dimension_numbers = #tpu.dot_dimension_numbers<[1], [0], [0], [1], [0, 0, 1, 1], [], []>, transpose_lhs_hint = false} : vector<2000x128xf32>, vector<128x128xf32>, vector<2000x128xf32> -> vector<2000x128xf32>
    %get3A_54 = arith.constant 0 : index
    %get3A_55 = arith.constant 0 : index
    %get3A_56 = vector.load %arg9[%get3A_54, %get3A_55] : memref<1x128xf32, #tpu.memory_space<vmem>>, vector<1x128xf32>
    %add3A_57 = vector.broadcast %get3A_56 : vector<1x128xf32> to vector<2000x128xf32>
    %add3A_58 = arith.addf %dot_general3A_53, %add3A_57 : vector<2000x128xf32>
    %max3A_59 = arith.constant 0.000000e+00 : f32
    %max3A_60 = vector.broadcast %max3A_59 : f32 to vector<2000x128xf32>
    %max3A_61 = arith.maximumf %add3A_58, %max3A_60 : vector<2000x128xf32>
    %get3A_62 = arith.constant 0 : index
    %get3A_63 = arith.constant 0 : index
    %get3A_64 = vector.load %arg10[%get3A_62, %get3A_63] : memref<128x128xf32, #tpu.memory_space<vmem>>, vector<128x128xf32>
    %dot_general3A_65 = arith.constant dense<0.000000e+00> : vector<2000x128xf32>
    %dot_general3A_66 = tpu.matmul %max3A_61, %get3A_64, %dot_general3A_65 {dimension_numbers = #tpu.dot_dimension_numbers<[1], [0], [0], [1], [0, 0, 1, 1], [], []>, transpose_lhs_hint = false} : vector<2000x128xf32>, vector<128x128xf32>, vector<2000x128xf32> -> vector<2000x128xf32>
    %get3A_67 = arith.constant 0 : index
    %get3A_68 = arith.constant 0 : index
    %get3A_69 = vector.load %arg11[%get3A_67, %get3A_68] : memref<1x128xf32, #tpu.memory_space<vmem>>, vector<1x128xf32>
    %add3A_70 = vector.broadcast %get3A_69 : vector<1x128xf32> to vector<2000x128xf32>
    %add3A_71 = arith.addf %dot_general3A_66, %add3A_70 : vector<2000x128xf32>
    %swap3A = arith.constant 0 : index
    %swap3A_72 = arith.constant 0 : index
    %swap3A_73 = vector.load %arg12[%swap3A, %swap3A_72] : memref<2000x128xf32, #tpu.memory_space<vmem>>, vector<2000x128xf32>
    tpu.vector_store %arg12[%swap3A, %swap3A_72], %add3A_71 {strides = array<i32>} : memref<2000x128xf32, #tpu.memory_space<vmem>>, vector<2000x128xf32>,
    return
  }
  func.func @transform_0(%arg0: i32) -> (i32, i32) {
    %c0_i32 = arith.constant 0 : i32
    %c0_i32_0 = arith.constant 0 : i32
    %c0_i32_1 = arith.constant 0 : i32
    return %c0_i32, %c0_i32_0 : i32, i32
  }
  func.func @transform_1(%arg0: i32) -> (i32, i32, i32) {
    %c0_i32 = arith.constant 0 : i32
    %c0_i32_0 = arith.constant 0 : i32
    %c0_i32_1 = arith.constant 0 : i32
    return %c0_i32, %arg0, %c0_i32_0 : i32, i32, i32
  }
  func.func @transform_2(%arg0: i32) -> (i32, i32, i32) {
    %c0_i32 = arith.constant 0 : i32
    %c0_i32_0 = arith.constant 0 : i32
    %c0_i32_1 = arith.constant 0 : i32
    return %c0_i32, %arg0, %c0_i32_0 : i32, i32, i32
  }
  func.func @transform_3(%arg0: i32) -> (i32, i32) {
    %c0_i32 = arith.constant 0 : i32
    %c0_i32_0 = arith.constant 0 : i32
    %c0_i32_1 = arith.constant 0 : i32
    return %c0_i32, %c0_i32_0 : i32, i32
  }
  func.func @transform_4(%arg0: i32) -> (i32, i32) {
    %c0_i32 = arith.constant 0 : i32
    %c0_i32_0 = arith.constant 0 : i32
    %c0_i32_1 = arith.constant 0 : i32
    return %c0_i32, %c0_i32_0 : i32, i32
  }
  func.func @transform_5(%arg0: i32) -> (i32, i32) {
    %c0_i32 = arith.constant 0 : i32
    %c0_i32_0 = arith.constant 0 : i32
    %c0_i32_1 = arith.constant 0 : i32
    return %c0_i32, %c0_i32_0 : i32, i32
  }
  func.func @transform_6(%arg0: i32) -> (i32, i32) {
    %c0_i32 = arith.constant 0 : i32
    %c0_i32_0 = arith.constant 0 : i32
    %c0_i32_1 = arith.constant 0 : i32
    return %c0_i32, %c0_i32_0 : i32, i32
  }
  func.func @transform_7(%arg0: i32) -> (i32, i32) {
    %c0_i32 = arith.constant 0 : i32
    %c0_i32_0 = arith.constant 0 : i32
    %c0_i32_1 = arith.constant 0 : i32
    return %c0_i32, %c0_i32_0 : i32, i32
  }
  func.func @transform_8(%arg0: i32) -> (i32, i32) {
    %c0_i32 = arith.constant 0 : i32
    %c0_i32_0 = arith.constant 0 : i32
    %c0_i32_1 = arith.constant 0 : i32
    return %c0_i32, %c0_i32_0 : i32, i32
  }
  func.func @transform_9(%arg0: i32) -> (i32, i32) {
    %c0_i32 = arith.constant 0 : i32
    %c0_i32_0 = arith.constant 0 : i32
    %c0_i32_1 = arith.constant 0 : i32
    return %c0_i32, %c0_i32_0 : i32, i32
  }
  func.func @transform_10(%arg0: i32) -> (i32, i32) {
    %c0_i32 = arith.constant 0 : i32
    %c0_i32_0 = arith.constant 0 : i32
    %c0_i32_1 = arith.constant 0 : i32
    return %c0_i32, %c0_i32_0 : i32, i32
  }
  func.func @transform_11(%arg0: i32) -> (i32, i32) {
    %c0_i32 = arith.constant 0 : i32
    %c0_i32_0 = arith.constant 0 : i32
    return %arg0, %c0_i32 : i32, i32
  }
}

</mosaic_0001>

<sc_bundles>
// kernel: kernel.6.cloned.1.call-start
scs
__scs_entry_jumppad:
0x0: {  	(pc) =	sbr.rel $0x88, $3  }
0x1: {  	(tag) =	ssettag $0x0;
	lr =	simm.s32 $0x1  }
0x2: {  	[smem:$0x3F91] =	sst lr;
	_ =	strace $0xD0000000  }
0x3: {  	_ = 	snop  }
0x4: {  	_ = 	snop  }
0x5: {  	_ = 	snop  }
0x6: {  	_ = 	snop  }
0x7: {  	_ = 	snop  }
__scs_overlays_trampoline_lowered:
0x8: {  	[smem:$0x3FA0] =	sst s0  }
0x9: {  	[smem:$0x3FA1] =	sst s1  }
0xa: {  	[smem:$0x3FA2] =	sst s2  }
0xb: {  	[smem:$0x3FA3] =	sst s3  }
0xc: {  	[smem:$0x3FA4] =	sst s4  }
0xd: {  	[smem:$0x3FA5] =	sst s5  }
0xe: {  	[smem:$0x3FA6] =	sst s6  }
0xf: {  	[smem:$0x3FA7] =	sst s7  }
0x10: {  	[smem:$0x3FA8] =	sst s8  }
0x11: {  	[smem:$0x3FA9] =	sst s9;
	s0 =	simm.s32 @!p0 $0x0  }
0x12: {  	s1 =	sld [smem:$0x3F8F];
	s0 =	simm.s32 @p0 $0x1  }
0x13: {  	[smem:$0x3FAA] =	sst s0;
	s0 =	simm.s32 @!p1 $0x0  }
0x14: {  	s2 =	sld [smem:$0x3F8E];
	s0 =	simm.s32 @p1 $0x1  }
0x15: {  	[smem:$0x3FAB] =	sst s0;
	s0 =	simm.s32 @!p2 $0x0  }
0x16: {  	s3 =	sld [smem:$0x3FDB];
	s0 =	simm.s32 @p2 $0x1  }
0x17: {  	s4 =	simm.s32 $0x1BF5;
	[smem:$0x3FAD] =	sst s0  }
0x18: {  	s0 =	sld [smem:$0x3F90];
	_ =	swait.ge [sflag:s4], $0x0  }
0x19: {  	s7 =	sld [smem:$0x3F91]  }
0x1a: {  	s8 =	sadd.s32 $0xFFFFE003, lr  }
0x1b: {  	s9 =	sadd.s32 $0xFFFFFEF7, lr;
	s5 =	simm.s32 $0xFFFFFFFF;
	p2 =	slt.u32 s8, $0xFFFFF086  }
0x1c: {  	p1 =	slt.u32 s9, $0xF7A;
	s5 =	simm.s32 @!p2 $0x0  }
0x1d: {  	s5 =	simm.s32 @p1 $0x1;
	p0 =	seq.s32 s7, s2  }
0x1e: {  	s7 =	smul.u32 @!p0 $0xF7A, s2;
	p2 =	seq.s32 @!p0 s5, $0x0  }
0x1f: {  	s9 =	smul.u32 $0xF7A, s1;
	s8 =	simm.s32 @!p0 $0x1BF5;
	p2 =	por !p2, p0  }
0x20: {  	[sflag:s8] =	ssyncset.s32 @!p0 $0xFFFFF086;
	s6 =	sadd.s32 @!p0 s3, s7;
	s7 =	simm.s32 @!p0 $0x108  }
0x21: {  	s3 =	sadd.s32 s3, s9;
	s6 =	sadd.s32 @!p0 $0x88, s6;
	s7 =	simm.s32 @p2 $0x1082  }
0x22: {  	[simem:s7], [sflag:s8] =	dma.local @!p0 [hbm:s6], $0xF7A  }
0x23: {  	s9 =	sor.u32 $0xD0000000, s2;
	s6 =	simm.s32 $0x108;
	_ =	swait.ge @!p0 [sflag:s8], $0x0  }
0x24: {  	s3 =	sadd.s32 $0x88, s3;
	s6 =	simm.s32 @!p1 $0x1082;
	[sflag:s4] =	ssyncset.s32 $0xFFFFF086  }
0x25: {  	[simem:s6], [sflag:s4] =	dma.local [hbm:s3], $0xF7A  }
0x26: {  	[smem:$0x3F91] =	sst s1;
	(tag) =	ssettag s2;
	_ =	strace s9  }
0x27: {  	s1 =	sld [smem:$0x3FA1]  }
0x28: {  	s2 =	sld [smem:$0x3FA2]  }
0x29: {  	s4 =	sld [smem:$0x3FA4]  }
0x2a: {  	p0 =	seq.s32 s5, $0x0;
	s5 =	sld [smem:$0x3FA5]  }
0x2b: {  	s6 =	sld [smem:$0x3FA6]  }
0x2c: {  	s7 =	sld [smem:$0x3FA7]  }
0x2d: {  	s3 =	simm.s32 $0x108;
	s8 =	sld [smem:$0x3FA8]  }
0x2e: {  	s3 =	simm.s32 @!p0 $0x1082;
	s9 =	sld [smem:$0x3FA9]  }
0x2f: {  	lr =	sadd.s32 s0, s3;
	s0 =	sld [smem:$0x3FA0]  }
0x30: {  	s3 =	sld [smem:$0x3FA3]  }
0x31: {  	[smem:$0x3FAC] =	sst s10  }
0x32: {  	s10 =	sld [smem:$0x3FAA];
	_ =	sdelay $0x3  }
0x33: {  	p0 =	seq.s32 s10, $0x1;
	s10 =	sld [smem:$0x3FAC];
	_ =	sdelay $0x3  }
0x34: {  	[smem:$0x3FAC] =	sst s10  }
0x35: {  	s10 =	sld [smem:$0x3FAB];
	_ =	sdelay $0x3  }
0x36: {  	p1 =	seq.s32 s10, $0x1;
	s10 =	sld [smem:$0x3FAC];
	_ =	sdelay $0x3  }
0x37: {  	[smem:$0x3FAC] =	sst s10  }
0x38: {  	s10 =	sld [smem:$0x3FAD]  }
0x39: {  	_ = 	snop;
	(pc) =	sbr.ind lr, $3  }
0x3a: {  	_ = 	snop  }
0x3b: {  	_ = 	snop  }
0x3c: {  	p2 =	seq.s32 s10, $0x1;
	s10 =	sld [smem:$0x3FAC]  }
0x3d: {  	_ =	shalt  }
0x3e: {  	_ =	shalt  }
0x3f: {  	_ =	shalt  }
0x40: {  	_ =	shalt  }
0x41: {  	_ =	shalt  }
0x42: {  	_ =	shalt  }
0x43: {  	_ =	shalt  }
0x44: {  	_ =	shalt  }
0x45: {  	_ =	shalt  }
0x46: {  	_ =	shalt  }
0x47: {  	_ =	shalt  }
0x48: {  	_ =	shalt  }
0x49: {  	_ =	shalt  }
0x4a: {  	_ =	shalt  }
0x4b: {  	_ =	shalt  }
0x4c: {  	_ =	shalt  }
0x4d: {  	_ =	shalt  }
0x4e: {  	_ =	shalt  }
0x4f: {  	_ =	shalt  }
0x50: {  	_ =	shalt  }
0x51: {  	_ =	shalt  }
0x52: {  	_ =	shalt  }
0x53: {  	_ =	shalt  }
0x54: {  	_ =	shalt  }
0x55: {  	_ =	shalt  }
0x56: {  	_ =	shalt  }
0x57: {  	_ =	shalt  }
0x58: {  	_ =	shalt  }
0x59: {  	_ =	shalt  }
0x5a: {  	_ =	shalt  }
0x5b: {  	_ =	shalt  }
0x5c: {  	_ =	shalt  }
0x5d: {  	_ =	shalt  }
0x5e: {  	_ =	shalt  }
0x5f: {  	_ =	shalt  }
0x60: {  	_ =	shalt  }
0x61: {  	_ =	shalt  }
0x62: {  	_ =	shalt  }
0x63: {  	_ =	shalt  }
0x64: {  	_ =	shalt  }
0x65: {  	_ =	shalt  }
0x66: {  	_ =	shalt  }
0x67: {  	_ =	shalt  }
0x68: {  	_ =	shalt  }
0x69: {  	_ =	shalt  }
0x6a: {  	_ =	shalt  }
0x6b: {  	_ =	shalt  }
0x6c: {  	_ =	shalt  }
0x6d: {  	_ =	shalt  }
0x6e: {  	_ =	shalt  }
0x6f: {  	_ =	shalt  }
0x70: {  	_ =	shalt  }
0x71: {  	_ =	shalt  }
0x72: {  	_ =	shalt  }
0x73: {  	_ =	shalt  }
0x74: {  	_ =	shalt  }
0x75: {  	_ =	shalt  }
0x76: {  	_ =	shalt  }
0x77: {  	_ =	shalt  }
0x78: {  	_ =	shalt  }
0x79: {  	_ =	shalt  }
0x7a: {  	_ =	shalt  }
0x7b: {  	_ =	shalt  }
0x7c: {  	_ =	shalt  }
0x7d: {  	_ =	shalt  }
0x7e: {  	_ =	shalt  }
0x7f: {  	_ =	shalt  }
0x80: {  	_ =	shalt  }
0x81: {  	_ =	shalt  }
0x82: {  	_ =	shalt  }
0x83: {  	_ =	shalt  }
0x84: {  	_ =	shalt  }
0x85: {  	_ =	shalt  }
0x86: {  	_ =	shalt  }
0x87: {  	_ =	shalt  }
.Lfunc_end0:
.L_simem_size_0:
called_computation_lowered:
.L_overlay_start_0:
0x88: {  	s2 =	sld [smem:$0x3FD9]  }
0x89: {  	s3 =	sld [smem:$0x3FFE];
	_ =	sdelay $0x1  }
0x8a: {  	s1 =	srdreg.scid  }
0x8b: {  	s0 =	sand.u32 $0x1, s1  }
0x8c: {  	s17 =	sshll.u32 s0, $0xA;
	s2 =	sadd.s32 s3, s2  }
0x8d: {  	s2 =	sadd.s32 s2, s17  }
0x8e: {  	[smem:$0x3FB8] =	sst s2  }
0x8f: {  	_ = 	snop  }
0x90: {  	s2 =	sld [smem:$0x3FD0];
	(tm) =	ssettm $0x1  }
0x91: {  	s18 =	sld [smem:$0x3FFB];
	_ =	sdelay $0x3  }
0x92: {  	_ =	strace s18  }
0x93: {  	s3 =	sld [smem:$0x3FFC];
	_ =	sdelay $0x3  }
0x94: {  	_ =	strace s3  }
0x95: {  	s3 =	sld [smem:$0x3FFD];
	_ =	sdelay $0x3  }
0x96: {  	_ =	strace s3  }
0x97: {  	_ =	strace $0x8FFFFFFF  }
0x98: {  	s19 =	sld [smem:$0x3FDB];
	_ =	sdelay $0x1  }
0x99: {  	s4 =	simm.s32 $_scs_section_size  }
0x9a: {  	s5 =	simm.s32 $_size__tile_overlayer_lowered;
	s6 =	simm.s32 $_tile_overlayer_lowered  }
0x9b: {  	s22 =	simm.s32 $0x1BFF;
	s21 =	sshll.u32 s6, $0x1;
	s3 =	sadd.s32 s4, s19  }
0x9c: {  	s7 =	simm.s32 $0x0;
	s20 =	sshll.u32 s5, $0x1;
	s5 =	sadd.s32 s21, s3  }
0x9d: {  	[timem:s7], [sflag:s22] =	dma.local [hbm:s5], s20  }
0x9e: {  	_ =	swait.ge [sflag:s22], s20  }
0x9f: {  	s4 =	ssub.s32 $0x0, s20;
	[sflag:s22] =	ssyncset.done $0x0  }
0xa0: {  	[sflag:s22] =	ssyncadd.s32 s4;
	_ =	sdelay $0x1  }
0xa1: {  	s23 =	simm.s32 $0x1B8B  }
0xa2: {  	_ =	swait.ge [sflag:s23], $0x1  }
0xa3: {  	[sflag:s23] =	ssyncset.done $0x0  }
0xa4: {  	s25 =	simm.s32 $0x1B8E;
	s24 =	sld [smem:$0x3FFE];
	[sflag:s23] =	ssyncadd.s32 $0xFFFFFFFF  }
0xa5: {  	s26 =	simm.s32 $execute0_lowered;
	[smem:$0x3FD2] =	sst s25  }
0xa6: {  	s5 =	sshll.u32 s26, $0x1;
	_ =	strace $0x80000046;
	[dreg:$0x1] =	wrdreg $0xFFFFFFFF  }
0xa7: {  	s28 =	simm.s32 $_size_execute0_lowered;
	s3 =	sadd.s32 s3, s5;
	[dreg:$0x0] =	wrdreg $0x0  }
0xa8: {  	s5 =	sshll.u32 s28, $0x1;
	[dreg:$0x2] =	wrdreg s3  }
0xa9: {  	[dreg:$0x3] =	wrdreg s5  }
0xaa: {  	[dreg:$0x4] =	wrdreg $0xC0  }
0xab: {  	_ =	task [dreg:s7], $0x5FFFF  }
0xac: {  	[dreg:$0x1] =	wrdreg $0xFFFFFFFF  }
0xad: {  	[dreg:$0x0] =	wrdreg $0x60  }
0xae: {  	[dreg:$0x2] =	wrdreg s2  }
0xaf: {  	[dreg:$0x3] =	wrdreg s24  }
0xb0: {  	[dreg:$0x4] =	wrdreg $0x15C400  }
0xb1: {  	[dreg:$0x5] =	wrdreg $0x9  }
0xb2: {  	_ =	task.clear_ibuf [dreg:s7], $0x6FFFF;
	_ =	strace $0x90000046  }
0xb3: {  	s29 =	simm.s32 $0x9;
	_ =	strace $0x80000048  }
0xb4: {  	_ =	swait.ge [sflag:s29], $0x1  }
0xb5: {  	[sflag:s29] =	ssyncadd.s32 $0xFFFFFFFF  }
0xb6: {  	_ =	strace $0x90000048  }
0xb7: {  	_ =	sfence  }
0xb8: {  	s30 =	sld [smem:$0x0];
	_ =	sdelay $0x2  }
0xb9: {  	s31 =	sshll.u32 s1, $0xD;
	s1 =	sshrl.u32 s1, $0x2  }
0xba: {  	s3 =	sand.u32 $0x4000, s31;
	s1 =	sadd.s32 s1, s30  }
0xbb: {  	s0 =	sor.u32 s3, s0;
	s1 =	sshll.u32 s1, $0x11  }
0xbc: {  	s0 =	sor.u32 s1, s0  }
0xbd: {  	s0 =	sadd.s32 $0x8F2B, s0  }
0xbe: {  	[sflag:s0] =	ssyncadd.remote.s32 $0x1  }
0xbf: {  	_ =	sfence.sel $0xFFFF  }
0xc0: {  	[dreg:$0x0] =	wrdreg $0xFFFFFFFF;
	(pc) =	sbr.abs _section_cstart, $3  }
0xc1: {  	[dreg:$0x1] =	wrdreg $0xFFFFFFFF  }
0xc2: {  	_ =	task.clear_ibuf [dreg:s7], $0x2FFFF;
	_ =	strace $0x9FFFFFFF  }
0xc3: {  	(tm) =	ssettm $0x7FFFFFFF  }
tec
execute0_lowered:
.L_overlay_start_1:
0x0: {  	(tag) =	ssettag $0x1  }
0x1: {  	s0 =	rddreg [dreg:$0x0]  }
0x2: {  	s1 =	rddreg [dreg:$0x1]  }
0x3: {  	s2 =	rddreg [dreg:$0x2];
	s3 =	simm.s32 $0x0;
	s10 =	stileid.u32  }
0x4: {  	s4 =	srdreg.scid;
	s14 =	simm.s32 $0xD;
	s28 =	simm.s32 $0x2  }
0x5: {  	s31 =	simm.s32 $0x13C40;
	s30 =	simm.s32 $0x8;
	s5 =	smul.u32 $0x9C4, s10  }
0x6: {  	s29 =	simm.s32 $0x6;
	[smem:$0x7FF] =	sst s3;
	s9 =	smul.u32 $0x28000, s10  }
0x7: {  	s4 =	sand.u32 $0x1, s4;
	s11 =	sadd.s32 $0x16000, s1;
	s18 =	smul.u32 $0xA000, s10  }
0x8: {  	_ =	strace $0x80000047;
	s6 =	smul.u32 $0x14000, s4;
	s7 =	ssub.s32 $0x2, s4  }
0x9: {  	[dreg:$0x4] =	wrdreg s11;
	s4 =	smul.u32 $0x13880, s4;
	s5 =	sadd.s32 s5, s1  }
0xa: {  	s8 =	sshrl.u32 s7, $0x1;
	s19 =	sshrl.u32 s9, $0x2;
	s25 =	sshrl.u32 s18, $0x3  }
0xb: {  	s9 =	simm.s32 $0x0;
	s1 =	sadd.s32 s6, s1;
	s16 =	ssub.s32 s7, s8  }
0xc: {  	s17 =	sadd.s32 $0xC200, s5;
	s5 =	sadd.s32 $0x2400, s5;
	s20 =	sadd.s32 s19, s2  }
0xd: {  	s7 =	sadd.s32 s18, s2;
	s12 =	sadd.s32 s0, s4;
	s18 =	simm.s32 $0xBC40  }
0xe: {  	s19 =	simm.s32 $0x7;
	s4 =	simm.s32 $0xA;
	[dreg:$0x5] =	wrdreg s17  }
0xf: {  	s6 =	simm.s32 $0xC;
	[dreg:$0x6] =	wrdreg s5;
	s21 =	sadd.s32 $0x2000, s20  }
0x10: {  	s22 =	sadd.s32 $0x4000, s20;
	s23 =	sadd.s32 $0x6000, s20;
	[dreg:$0x7] =	wrdreg s21  }
0x11: {  	s5 =	sadd.s32 $0x8000, s20;
	s24 =	sadd.s32 $0x16400, s1;
	[dreg:$0x8] =	wrdreg s22  }
0x12: {  	s26 =	smax.u32 s16, $0x1;
	s16 =	simm.s32 $0x9C40;
	[dreg:$0x9] =	wrdreg s23  }
.Ltmp0:
0x13: {  	s17 =	simm.s32 $0x80;
	[dreg:$0xa] =	wrdreg s5;
	(pc) =	sbr.rel .LBB2_1-.Ltmp0, $4  }
0x14: {  	s20 =	simm.s32 $0xDC40;
	s1 =	simm.s32 $0x9;
	[dreg:$0xb] =	wrdreg s26  }
0x15: {  	s22 =	simm.s32 $0xFC40;
	s23 =	simm.s32 $0x1;
	s0 =	sadd.s32 s25, s24  }
0x16: {  	s26 =	simm.s32 $0x11C40;
	s25 =	simm.s32 $0x4;
	s21 =	simm.s32 $0x5  }
0x17: {  	s5 =	simm.s32 $0xB;
	[dreg:$0xc] =	wrdreg s0;
	s0 =	simm.s32 $0x3  }
.LBB2_4:
0x18: {  	_ =	swait.ge [sflag:s29], $0x2000  }
0x19: {  	[sflag:s29] =	ssyncset.done $0x0  }
0x1a: {  	[sflag:s29] =	ssyncadd.s32 $0xFFFFE000  }
0x1b: {  	[spmem:s2] =	stream.indirect.scatter.add.f32 [tilespmem:s31], [sflag:$0xC], $0x40, s15, s17, $0xb8;
	[tilespmem:$0x1FC40] =	vst v63  }
0x1c: {  	_ =	swait.ge [sflag:s19], $0x2000  }
0x1d: {  	[sflag:s19] =	ssyncset.done $0x0  }
0x1e: {  	[sflag:s19] =	ssyncadd.s32 $0xFFFFE000  }
0x1f: {  	_ =	swait.ge [sflag:s30], $0x2000  }
0x20: {  	[sflag:s30] =	ssyncset.done $0x0  }
0x21: {  	[sflag:s30] =	ssyncadd.s32 $0xFFFFE000  }
0x22: {  	_ =	swait.ge [sflag:s1], $0x2000  }
0x23: {  	[sflag:s1] =	ssyncset.done $0x0  }
0x24: {  	[sflag:s1] =	ssyncadd.s32 $0xFFFFE000  }
0x25: {  	_ =	swait.ge [sflag:s4], $0x2000  }
0x26: {  	[sflag:s4] =	ssyncset.done $0x0  }
0x27: {  	[sflag:s4] =	ssyncadd.s32 $0xFFFFE000  }
0x28: {  	_ =	swait.ge [sflag:s5], $0x2000  }
0x29: {  	[sflag:s5] =	ssyncset.done $0x0  }
0x2a: {  	[sflag:s5] =	ssyncadd.s32 $0xFFFFE000  }
0x2b: {  	_ =	swait.ge [sflag:s6], $0x2000  }
0x2c: {  	[sflag:s6] =	ssyncset.done $0x0  }
0x2d: {  	s8 =	simm.s32 $0x20;
	s10 =	simm.s32 $0x4E00;
	[sflag:s6] =	ssyncadd.s32 $0xFFFFE000  }
0x2e: {  	[tilespmem:s16], [sflag:$0x1] =	stream.indirect.gather [hbm4b:s12+s8], $0x40, s10, s8, $0xb8;
	[tilespmem:$0x1FC40] =	vst v63  }
0x2f: {  	_ =	swait.ge [sflag:s23], $0x800  }
0x30: {  	[sflag:s23] =	ssyncset.done $0x0  }
0x31: {  	s11 =	simm.s32 $0x9C20;
	[sflag:s23] =	ssyncadd.s32 $0xFFFFF800  }
0x32: {  	[spmem:s2] =	stream.indirect.scatter.add.f32 [tilespmem:s16], [sflag:$0xD], $0x40, s11, s8, $0xb8;
	[tilespmem:$0x1FC40] =	vst v63  }
0x33: {  	_ =	swait.ge [sflag:s14], $0x800  }
0x34: {  	[sflag:s14] =	ssyncset.done $0x0  }
0x35: {  	s13 =	stileid.u32;
	[sflag:s14] =	ssyncadd.s32 $0xFFFFF800  }
0x36: {  	s8 =	sshll.u32 s13, $0x6;
	[bflag:$0x0] =	sbarrier.arrive $0xFFFF  }
0x37: {  	s15 =	sshrl.u32 s7, $0x3;
	s8 =	sor.u32 $0x1C0D, s8;
	s11 =	rddreg [dreg:$0xc]  }
0x38: {  	[hbm:s11], [sflag:s8] =	dma.local [spmem:s15], $0x1400  }
0x39: {  	_ =	swait.ge [sflag:s14], $0x1400  }
0x3a: {  	s9 =	sadd.s32 $0x1, s9;
	s24 =	rddreg [dreg:$0xb]  }
0x3b: {  	p0 =	sne.s32 s9, s24  }
.Ltmp1:
0x3c: {  	_ = 	snop;
	(pc) =	sbr.rel @!p0 .LBB2_5-.Ltmp1, $3  }
0x3d: {  	_ =	sdelay $0x1  }
0x3e: {  	[sflag:s14] =	ssyncset.done $0x0  }
0x3f: {  	[sflag:s14] =	ssyncadd.s32 $0xFFFFEC00  }
.LBB2_1:
0x40: {  	s8 =	rddreg [dreg:$0x5]  }
0x41: {  	[tilespmem:s3], [sflag:$0xD] =	stream.linear.gather [hbm4b:s8+s3], $0x4E20, $0x38;
	[tilespmem:$0x1FC40] =	vst v63  }
0x42: {  	_ =	swait.ge [sflag:s14], $0x4E20  }
0x43: {  	[sflag:s14] =	ssyncset.done $0x0  }
0x44: {  	s10 =	simm.s32 $0x4E20;
	s24 =	rddreg [dreg:$0x6];
	[sflag:s14] =	ssyncadd.s32 $0xFFFFB1E0  }
0x45: {  	[tilespmem:s10], [sflag:$0xD] =	stream.linear.gather [hbm4b:s24+s3], $0x4E20, $0x38;
	[tilespmem:$0x1FC40] =	vst v63  }
0x46: {  	_ =	swait.ge [sflag:s14], $0x4E20  }
0x47: {  	[sflag:s14] =	ssyncset.done $0x0  }
0x48: {  	s11 =	rddreg [dreg:$0x4];
	[sflag:s14] =	ssyncadd.s32 $0xFFFFB1E0  }
0x49: {  	[tilespmem:s16], [sflag:$0xD] =	stream.linear.gather [hbm4b:s11+s3], $0x2000, $0x38;
	[tilespmem:$0x1FC40] =	vst v63  }
0x4a: {  	_ =	swait.ge [sflag:s14], $0x2000  }
0x4b: {  	[sflag:s14] =	ssyncset.done $0x0  }
0x4c: {  	[sflag:s14] =	ssyncadd.s32 $0xFFFFE000  }
0x4d: {  	[spmem:s7] =	stream.linear.scatter [tilespmem:s16], [sflag:$0xD], $0x2000, $0x38;
	[tilespmem:$0x1FC40] =	vst v63  }
0x4e: {  	_ =	swait.ge [sflag:s14], $0x2000  }
0x4f: {  	[sflag:s14] =	ssyncset.done $0x0  }
0x50: {  	s13 =	rddreg [dreg:$0x7];
	[sflag:s14] =	ssyncadd.s32 $0xFFFFE000  }
0x51: {  	[spmem:s13] =	stream.linear.scatter [tilespmem:s16], [sflag:$0xD], $0x2000, $0x38;
	[tilespmem:$0x1FC40] =	vst v63  }
0x52: {  	_ =	swait.ge [sflag:s14], $0x2000  }
0x53: {  	[sflag:s14] =	ssyncset.done $0x0  }
0x54: {  	s15 =	rddreg [dreg:$0x8];
	[sflag:s14] =	ssyncadd.s32 $0xFFFFE000  }
0x55: {  	[spmem:s15] =	stream.linear.scatter [tilespmem:s16], [sflag:$0xD], $0x2000, $0x38;
	[tilespmem:$0x1FC40] =	vst v63  }
0x56: {  	_ =	swait.ge [sflag:s14], $0x2000  }
0x57: {  	[sflag:s14] =	ssyncset.done $0x0  }
0x58: {  	s24 =	rddreg [dreg:$0x9];
	[sflag:s14] =	ssyncadd.s32 $0xFFFFE000  }
0x59: {  	[spmem:s24] =	stream.linear.scatter [tilespmem:s16], [sflag:$0xD], $0x2000, $0x38;
	[tilespmem:$0x1FC40] =	vst v63  }
0x5a: {  	_ =	swait.ge [sflag:s14], $0x2000  }
0x5b: {  	[sflag:s14] =	ssyncset.done $0x0  }
0x5c: {  	s11 =	rddreg [dreg:$0xa];
	[sflag:s14] =	ssyncadd.s32 $0xFFFFE000  }
0x5d: {  	[spmem:s11] =	stream.linear.scatter [tilespmem:s16], [sflag:$0xD], $0x2000, $0x38;
	[tilespmem:$0x1FC40] =	vst v63  }
0x5e: {  	_ =	swait.ge [sflag:s14], $0x2000  }
0x5f: {  	[sflag:s14] =	ssyncset.done $0x0  }
0x60: {  	[sflag:s14] =	ssyncadd.s32 $0xFFFFE000  }
0x61: {  	[bflag:$0x0] =	sbarrier.arrive $0xFFFF  }
0x62: {  	[tilespmem:s16], [sflag:$0x1] =	stream.indirect.gather [hbm4b:s12+s17], $0x40, s3, s17, $0xb8;
	[tilespmem:$0x1FC40] =	vst v63  }
0x63: {  	_ = 	snop  }
0x64: {  	[tilespmem:s18], [sflag:$0x2] =	stream.indirect.gather [hbm4b:s12+s17], $0x40, s17, s17, $0xb8;
	[tilespmem:$0x1FC40] =	vst v63  }
0x65: {  	s13 =	simm.s32 $0x100  }
0x66: {  	[tilespmem:s20], [sflag:$0x3] =	stream.indirect.gather [hbm4b:s12+s17], $0x40, s13, s17, $0xb8;
	[tilespmem:$0x1FC40] =	vst v63  }
0x67: {  	s15 =	simm.s32 $0x180  }
0x68: {  	[tilespmem:s22], [sflag:$0x4] =	stream.indirect.gather [hbm4b:s12+s17], $0x40, s15, s17, $0xb8;
	[tilespmem:$0x1FC40] =	vst v63  }
0x69: {  	_ =	swait.ge [sflag:s23], $0x2000  }
0x6a: {  	[sflag:s23] =	ssyncset.done $0x0  }
0x6b: {  	[sflag:s23] =	ssyncadd.s32 $0xFFFFE000  }
0x6c: {  	[spmem:s2] =	stream.indirect.scatter.add.f32 [tilespmem:s16], [sflag:$0x7], $0x40, s10, s17, $0xb8;
	[tilespmem:$0x1FC40] =	vst v63  }
0x6d: {  	s24 =	simm.s32 $0x200  }
0x6e: {  	[tilespmem:s26], [sflag:$0x5] =	stream.indirect.gather [hbm4b:s12+s17], $0x40, s24, s17, $0xb8;
	[tilespmem:$0x1FC40] =	vst v63  }
0x6f: {  	_ =	swait.ge [sflag:s28], $0x2000  }
0x70: {  	[sflag:s28] =	ssyncset.done $0x0  }
0x71: {  	s10 =	simm.s32 $0x4EA0;
	[sflag:s28] =	ssyncadd.s32 $0xFFFFE000  }
0x72: {  	[spmem:s2] =	stream.indirect.scatter.add.f32 [tilespmem:s18], [sflag:$0x8], $0x40, s10, s17, $0xb8;
	[tilespmem:$0x1FC40] =	vst v63  }
0x73: {  	s11 =	simm.s32 $0x280  }
0x74: {  	[tilespmem:s31], [sflag:$0x6] =	stream.indirect.gather [hbm4b:s12+s17], $0x40, s11, s17, $0xb8;
	[tilespmem:$0x1FC40] =	vst v63  }
0x75: {  	_ =	swait.ge [sflag:s0], $0x2000  }
0x76: {  	[sflag:s0] =	ssyncset.done $0x0  }
0x77: {  	s13 =	simm.s32 $0x4F20;
	[sflag:s0] =	ssyncadd.s32 $0xFFFFE000  }
0x78: {  	[spmem:s2] =	stream.indirect.scatter.add.f32 [tilespmem:s20], [sflag:$0x9], $0x40, s13, s17, $0xb8;
	[tilespmem:$0x1FC40] =	vst v63  }
0x79: {  	_ =	swait.ge [sflag:s19], $0x2000  }
0x7a: {  	[sflag:s19] =	ssyncset.done $0x0  }
0x7b: {  	s15 =	simm.s32 $0x300;
	[sflag:s19] =	ssyncadd.s32 $0xFFFFE000  }
0x7c: {  	[tilespmem:s16], [sflag:$0x1] =	stream.indirect.gather [hbm4b:s12+s17], $0x40, s15, s17, $0xb8;
	[tilespmem:$0x1FC40] =	vst v63  }
0x7d: {  	_ =	swait.ge [sflag:s25], $0x2000  }
0x7e: {  	[sflag:s25] =	ssyncset.done $0x0  }
0x7f: {  	s24 =	simm.s32 $0x4FA0;
	[sflag:s25] =	ssyncadd.s32 $0xFFFFE000  }
0x80: {  	[spmem:s2] =	stream.indirect.scatter.add.f32 [tilespmem:s22], [sflag:$0xA], $0x40, s24, s17, $0xb8;
	[tilespmem:$0x1FC40] =	vst v63  }
0x81: {  	_ =	swait.ge [sflag:s30], $0x2000  }
0x82: {  	[sflag:s30] =	ssyncset.done $0x0  }
0x83: {  	s10 =	simm.s32 $0x380;
	[sflag:s30] =	ssyncadd.s32 $0xFFFFE000  }
0x84: {  	[tilespmem:s18], [sflag:$0x2] =	stream.indirect.gather [hbm4b:s12+s17], $0x40, s10, s17, $0xb8;
	[tilespmem:$0x1FC40] =	vst v63  }
0x85: {  	_ =	swait.ge [sflag:s21], $0x2000  }
0x86: {  	[sflag:s21] =	ssyncset.done $0x0  }
0x87: {  	s11 =	simm.s32 $0x5020;
	[sflag:s21] =	ssyncadd.s32 $0xFFFFE000  }
0x88: {  	[spmem:s2] =	stream.indirect.scatter.add.f32 [tilespmem:s26], [sflag:$0xB], $0x40, s11, s17, $0xb8;
	[tilespmem:$0x1FC40] =	vst v63  }
0x89: {  	_ =	swait.ge [sflag:s1], $0x2000  }
0x8a: {  	[sflag:s1] =	ssyncset.done $0x0  }
0x8b: {  	s13 =	simm.s32 $0x400;
	[sflag:s1] =	ssyncadd.s32 $0xFFFFE000  }
0x8c: {  	[tilespmem:s20], [sflag:$0x3] =	stream.indirect.gather [hbm4b:s12+s17], $0x40, s13, s17, $0xb8;
	[tilespmem:$0x1FC40] =	vst v63  }
0x8d: {  	_ =	swait.ge [sflag:s29], $0x2000  }
0x8e: {  	[sflag:s29] =	ssyncset.done $0x0  }
0x8f: {  	s15 =	simm.s32 $0x50A0;
	[sflag:s29] =	ssyncadd.s32 $0xFFFFE000  }
0x90: {  	[spmem:s2] =	stream.indirect.scatter.add.f32 [tilespmem:s31], [sflag:$0xC], $0x40, s15, s17, $0xb8;
	[tilespmem:$0x1FC40] =	vst v63  }
0x91: {  	_ =	swait.ge [sflag:s4], $0x2000  }
0x92: {  	[sflag:s4] =	ssyncset.done $0x0  }
0x93: {  	s24 =	simm.s32 $0x480;
	s10 =	simm.s32 $0x0;
	[sflag:s4] =	ssyncadd.s32 $0xFFFFE000  }
0x94: {  	[tilespmem:s22], [sflag:$0x4] =	stream.indirect.gather [hbm4b:s12+s17], $0x40, s24, s17, $0xb8;
	[tilespmem:$0x1FC40] =	vst v63  }
.LBB2_2:
0x95: {  	_ =	swait.ge [sflag:s23], $0x2000  }
0x96: {  	s11 =	sshra.s32 s10, $0x2;
	[sflag:s23] =	ssyncset.done $0x0  }
0x97: {  	s15 =	sadd.s32 $0x5120, s11;
	[sflag:s23] =	ssyncadd.s32 $0xFFFFE000  }
0x98: {  	[spmem:s2] =	stream.indirect.scatter.add.f32 [tilespmem:s16], [sflag:$0x7], $0x40, s15, s17, $0xb8;
	[tilespmem:$0x1FC40] =	vst v63  }
0x99: {  	_ =	swait.ge [sflag:s5], $0x2000  }
0x9a: {  	[sflag:s5] =	ssyncset.done $0x0  }
0x9b: {  	s13 =	sadd.s32 $0x500, s11;
	[sflag:s5] =	ssyncadd.s32 $0xFFFFE000  }
0x9c: {  	[tilespmem:s26], [sflag:$0x5] =	stream.indirect.gather [hbm4b:s12+s17], $0x40, s13, s17, $0xb8;
	[tilespmem:$0x1FC40] =	vst v63  }
0x9d: {  	_ =	swait.ge [sflag:s28], $0x2000  }
0x9e: {  	[sflag:s28] =	ssyncset.done $0x0  }
0x9f: {  	s24 =	sadd.s32 $0x51A0, s11;
	[sflag:s28] =	ssyncadd.s32 $0xFFFFE000  }
0xa0: {  	[spmem:s2] =	stream.indirect.scatter.add.f32 [tilespmem:s18], [sflag:$0x8], $0x40, s24, s17, $0xb8;
	[tilespmem:$0x1FC40] =	vst v63  }
0xa1: {  	_ =	swait.ge [sflag:s6], $0x2000  }
0xa2: {  	[sflag:s6] =	ssyncset.done $0x0  }
0xa3: {  	s8 =	sadd.s32 $0x580, s11;
	[sflag:s6] =	ssyncadd.s32 $0xFFFFE000  }
0xa4: {  	[tilespmem:s31], [sflag:$0x6] =	stream.indirect.gather [hbm4b:s12+s17], $0x40, s8, s17, $0xb8;
	[tilespmem:$0x1FC40] =	vst v63  }
0xa5: {  	_ =	swait.ge [sflag:s0], $0x2000  }
0xa6: {  	p0 =	seq.s32 s10, $0x12000;
	[sflag:s0] =	ssyncset.done $0x0  }
0xa7: {  	s15 =	simm.s32 @p0 $0x4;
	s13 =	sadd.s32 $0x5220, s11;
	[sflag:s0] =	ssyncadd.s32 $0xFFFFE000  }
0xa8: {  	[spmem:s2] =	stream.indirect.scatter.add.f32 [tilespmem:s20], [sflag:$0x9], $0x40, s13, s17, $0xb8;
	[tilespmem:$0x1FC40] =	vst v63  }
0xa9: {  	_ =	swait.ge @p0 [sflag:s15], $0x2000  }
0xaa: {  	[sflag:s15] =	ssyncset.done @p0 $0x0  }
0xab: {  	[sflag:s15] =	ssyncadd.s32 @p0 $0xFFFFE000;
	s15 =	sshra.s32 @p0 s10, $0x2  }
0xac: {  	s24 =	simm.s32 @p0 $0xFC40;
	s13 =	simm.s32 @p0 $0x80;
	s15 =	sadd.s32 @p0 $0x52A0, s15  }
0xad: {  	[spmem:s2] =	stream.indirect.scatter.add.f32 @p0 [tilespmem:s24], [sflag:$0xA], $0x40, s15, s13, $0xb8;
	[tilespmem:$0x1FC40] =	vst v63  }
0xae: {  	s13 =	simm.s32 @!p0 $0x7  }
0xaf: {  	_ =	swait.ge @!p0 [sflag:s13], $0x2000  }
0xb0: {  	[sflag:s13] =	ssyncset.done @!p0 $0x0  }
0xb1: {  	[sflag:s13] =	ssyncadd.s32 @!p0 $0xFFFFE000;
	s13 =	sshra.s32 @!p0 s10, $0x2  }
0xb2: {  	s8 =	simm.s32 @!p0 $0x9C40;
	s24 =	simm.s32 @!p0 $0x80;
	s15 =	sadd.s32 @!p0 $0x600, s13  }
0xb3: {  	[tilespmem:s8], [sflag:$0x1] =	stream.indirect.gather @!p0 [hbm4b:s12+s24], $0x40, s15, s24, $0xb8;
	[tilespmem:$0x1FC40] =	vst v63  }
0xb4: {  	s8 =	simm.s32 @!p0 $0x4  }
0xb5: {  	_ =	swait.ge @!p0 [sflag:s8], $0x2000  }
0xb6: {  	[sflag:s8] =	ssyncset.done @!p0 $0x0  }
0xb7: {  	s15 =	simm.s32 @!p0 $0xFC40;
	[sflag:s8] =	ssyncadd.s32 @!p0 $0xFFFFE000;
	s8 =	sadd.s32 @!p0 $0x52A0, s13  }
0xb8: {  	[spmem:s2] =	stream.indirect.scatter.add.f32 @!p0 [tilespmem:s15], [sflag:$0xA], $0x40, s8, s24, $0xb8;
	[tilespmem:$0x1FC40] =	vst v63  }
0xb9: {  	s8 =	simm.s32 @!p0 $0x8  }
0xba: {  	_ =	swait.ge @!p0 [sflag:s8], $0x2000  }
0xbb: {  	[sflag:s8] =	ssyncset.done @!p0 $0x0  }
0xbc: {  	[sflag:s8] =	ssyncadd.s32 @!p0 $0xFFFFE000;
	s8 =	sadd.s32 @!p0 $0x680, s13;
	s13 =	simm.s32 @!p0 $0xBC40  }
0xbd: {  	[tilespmem:s13], [sflag:$0x2] =	stream.indirect.gather @!p0 [hbm4b:s12+s24], $0x40, s8, s24, $0xb8;
	[tilespmem:$0x1FC40] =	vst v63  }
.Ltmp2:
0xbe: {  	_ = 	snop;
	(pc) =	sbr.rel @p0 .LBB2_4-.Ltmp2, $4  }
0xbf: {  	_ =	swait.ge [sflag:s21], $0x2000  }
0xc0: {  	[sflag:s21] =	ssyncset.done $0x0  }
0xc1: {  	s15 =	sadd.s32 $0x53A0, s11;
	s24 =	sadd.s32 $0x5320, s11;
	[sflag:s21] =	ssyncadd.s32 $0xFFFFE000  }
0xc2: {  	[spmem:s2] =	stream.indirect.scatter.add.f32 [tilespmem:s26], [sflag:$0xB], $0x40, s24, s17, $0xb8;
	[tilespmem:$0x1FC40] =	vst v63  }
0xc3: {  	_ =	swait.ge [sflag:s1], $0x2000  }
0xc4: {  	[sflag:s1] =	ssyncset.done $0x0  }
0xc5: {  	s8 =	sadd.s32 $0x700, s11;
	[sflag:s1] =	ssyncadd.s32 $0xFFFFE000  }
0xc6: {  	[tilespmem:s20], [sflag:$0x3] =	stream.indirect.gather [hbm4b:s12+s17], $0x40, s8, s17, $0xb8;
	[tilespmem:$0x1FC40] =	vst v63  }
0xc7: {  	_ =	swait.ge [sflag:s29], $0x2000  }
0xc8: {  	[sflag:s29] =	ssyncset.done $0x0  }
0xc9: {  	[sflag:s29] =	ssyncadd.s32 $0xFFFFE000  }
0xca: {  	[spmem:s2] =	stream.indirect.scatter.add.f32 [tilespmem:s31], [sflag:$0xC], $0x40, s15, s17, $0xb8;
	[tilespmem:$0x1FC40] =	vst v63  }
.Ltmp3:
0xcb: {  	_ = 	snop;
	(pc) =	sbr.rel .LBB2_2-.Ltmp3, $4  }
0xcc: {  	_ =	swait.ge [sflag:s4], $0x2000  }
0xcd: {  	[sflag:s4] =	ssyncset.done $0x0  }
0xce: {  	s24 =	sadd.s32 $0x780, s11;
	s10 =	sadd.s32 $0xC00, s10;
	[sflag:s4] =	ssyncadd.s32 $0xFFFFE000  }
0xcf: {  	[tilespmem:s22], [sflag:$0x4] =	stream.indirect.gather [hbm4b:s12+s17], $0x40, s24, s17, $0xb8;
	[tilespmem:$0x1FC40] =	vst v63  }
.LBB2_5:
0xd0: {  	_ =	sfence.sel $0x180000  }
0xd1: {  	[bflag:$0x0] =	sbarrier.arrive $0xFFFF  }
0xd2: {  	_ =	strace $0x90000047  }
0xd3: {  	s0 =	stileid.u32;
	[bflag:$0x2] =	sbarrier.arrive $0xFFFF  }
0xd4: {  	p0 =	sne.s32 s0, $0x0;
	s0 =	rddreg [dreg:$0x3]  }
0xd5: {  	s0 =	sadd.s32 @!p0 $0x100000, s0  }
0xd6: {  	[sflag:s0] =	ssyncadd.tile.s32 @!p0 $0x1;
	_ =	shalt  }
.Lfunc_end2:
_tile_overlayer_lowered:
.L_overlay_start_2:
0xd7: {  	(tag) =	ssettag $0x2  }
0xd8: {  	s0 =	rddreg [dreg:$0x0];
	s2 =	stileid.u32  }
0xd9: {  	s1 =	rddreg [dreg:$0x1];
	p0 =	sne.s32 s2, $0x0  }
0xda: {  	s3 =	rddreg [dreg:$0x2];
	[bflag:$0x3] =	sbarrier.arrive $0xFFFF;
	s2 =	simm.s32 @!p0 $0x1C0D  }
0xdb: {  	[timem:s3], [sflag:s2] =	dma.local @!p0 [hbm:s0], s1  }
0xdc: {  	s0 =	simm.s32 @!p0 $0xD  }
0xdd: {  	_ =	swait.ge @!p0 [sflag:s0], s1  }
0xde: {  	s1 =	ssub.s32 @!p0 $0x0, s1;
	[sflag:s0] =	ssyncset.done @!p0 $0x0  }
0xdf: {  	[sflag:s0] =	ssyncadd.s32 @!p0 s1  }
0xe0: {  	[bflag:$0x3] =	sbarrier.arrive $0xFFFF  }
0xe1: {  	_ =	shalt  }

// kernel: kernel.9.cloned.1.call-start
scs
__scs_entry_jumppad:
0x0: {  	(pc) =	sbr.rel $0x88, $3  }
0x1: {  	(tag) =	ssettag $0x0;
	lr =	simm.s32 $0x1  }
0x2: {  	[smem:$0x3F91] =	sst lr;
	_ =	strace $0xD0000000  }
0x3: {  	_ = 	snop  }
0x4: {  	_ = 	snop  }
0x5: {  	_ = 	snop  }
0x6: {  	_ = 	snop  }
0x7: {  	_ = 	snop  }
__scs_overlays_trampoline_lowered:
0x8: {  	[smem:$0x3FA0] =	sst s0  }
0x9: {  	[smem:$0x3FA1] =	sst s1  }
0xa: {  	[smem:$0x3FA2] =	sst s2  }
0xb: {  	[smem:$0x3FA3] =	sst s3  }
0xc: {  	[smem:$0x3FA4] =	sst s4  }
0xd: {  	[smem:$0x3FA5] =	sst s5  }
0xe: {  	[smem:$0x3FA6] =	sst s6  }
0xf: {  	[smem:$0x3FA7] =	sst s7  }
0x10: {  	[smem:$0x3FA8] =	sst s8  }
0x11: {  	[smem:$0x3FA9] =	sst s9;
	s0 =	simm.s32 @!p0 $0x0  }
0x12: {  	s1 =	sld [smem:$0x3F8F];
	s0 =	simm.s32 @p0 $0x1  }
0x13: {  	[smem:$0x3FAA] =	sst s0;
	s0 =	simm.s32 @!p1 $0x0  }
0x14: {  	s2 =	sld [smem:$0x3F8E];
	s0 =	simm.s32 @p1 $0x1  }
0x15: {  	[smem:$0x3FAB] =	sst s0;
	s0 =	simm.s32 @!p2 $0x0  }
0x16: {  	s3 =	sld [smem:$0x3FDB];
	s0 =	simm.s32 @p2 $0x1  }
0x17: {  	s4 =	simm.s32 $0x1BF5;
	[smem:$0x3FAD] =	sst s0  }
0x18: {  	s0 =	sld [smem:$0x3F90];
	_ =	swait.ge [sflag:s4], $0x0  }
0x19: {  	s7 =	sld [smem:$0x3F91]  }
0x1a: {  	s8 =	sadd.s32 $0xFFFFE003, lr  }
0x1b: {  	s9 =	sadd.s32 $0xFFFFFEF7, lr;
	s5 =	simm.s32 $0xFFFFFFFF;
	p2 =	slt.u32 s8, $0xFFFFF086  }
0x1c: {  	p1 =	slt.u32 s9, $0xF7A;
	s5 =	simm.s32 @!p2 $0x0  }
0x1d: {  	s5 =	simm.s32 @p1 $0x1;
	p0 =	seq.s32 s7, s2  }
0x1e: {  	s7 =	smul.u32 @!p0 $0xF7A, s2;
	p2 =	seq.s32 @!p0 s5, $0x0  }
0x1f: {  	s9 =	smul.u32 $0xF7A, s1;
	s8 =	simm.s32 @!p0 $0x1BF5;
	p2 =	por !p2, p0  }
0x20: {  	[sflag:s8] =	ssyncset.s32 @!p0 $0xFFFFF086;
	s6 =	sadd.s32 @!p0 s3, s7;
	s7 =	simm.s32 @!p0 $0x108  }
0x21: {  	s3 =	sadd.s32 s3, s9;
	s6 =	sadd.s32 @!p0 $0x88, s6;
	s7 =	simm.s32 @p2 $0x1082  }
0x22: {  	[simem:s7], [sflag:s8] =	dma.local @!p0 [hbm:s6], $0xF7A  }
0x23: {  	s9 =	sor.u32 $0xD0000000, s2;
	s6 =	simm.s32 $0x108;
	_ =	swait.ge @!p0 [sflag:s8], $0x0  }
0x24: {  	s3 =	sadd.s32 $0x88, s3;
	s6 =	simm.s32 @!p1 $0x1082;
	[sflag:s4] =	ssyncset.s32 $0xFFFFF086  }
0x25: {  	[simem:s6], [sflag:s4] =	dma.local [hbm:s3], $0xF7A  }
0x26: {  	[smem:$0x3F91] =	sst s1;
	(tag) =	ssettag s2;
	_ =	strace s9  }
0x27: {  	s1 =	sld [smem:$0x3FA1]  }
0x28: {  	s2 =	sld [smem:$0x3FA2]  }
0x29: {  	s4 =	sld [smem:$0x3FA4]  }
0x2a: {  	p0 =	seq.s32 s5, $0x0;
	s5 =	sld [smem:$0x3FA5]  }
0x2b: {  	s6 =	sld [smem:$0x3FA6]  }
0x2c: {  	s7 =	sld [smem:$0x3FA7]  }
0x2d: {  	s3 =	simm.s32 $0x108;
	s8 =	sld [smem:$0x3FA8]  }
0x2e: {  	s3 =	simm.s32 @!p0 $0x1082;
	s9 =	sld [smem:$0x3FA9]  }
0x2f: {  	lr =	sadd.s32 s0, s3;
	s0 =	sld [smem:$0x3FA0]  }
0x30: {  	s3 =	sld [smem:$0x3FA3]  }
0x31: {  	[smem:$0x3FAC] =	sst s10  }
0x32: {  	s10 =	sld [smem:$0x3FAA];
	_ =	sdelay $0x3  }
0x33: {  	p0 =	seq.s32 s10, $0x1;
	s10 =	sld [smem:$0x3FAC];
	_ =	sdelay $0x3  }
0x34: {  	[smem:$0x3FAC] =	sst s10  }
0x35: {  	s10 =	sld [smem:$0x3FAB];
	_ =	sdelay $0x3  }
0x36: {  	p1 =	seq.s32 s10, $0x1;
	s10 =	sld [smem:$0x3FAC];
	_ =	sdelay $0x3  }
0x37: {  	[smem:$0x3FAC] =	sst s10  }
0x38: {  	s10 =	sld [smem:$0x3FAD]  }
0x39: {  	_ = 	snop;
	(pc) =	sbr.ind lr, $3  }
0x3a: {  	_ = 	snop  }
0x3b: {  	_ = 	snop  }
0x3c: {  	p2 =	seq.s32 s10, $0x1;
	s10 =	sld [smem:$0x3FAC]  }
0x3d: {  	_ =	shalt  }
0x3e: {  	_ =	shalt  }
0x3f: {  	_ =	shalt  }
0x40: {  	_ =	shalt  }
0x41: {  	_ =	shalt  }
0x42: {  	_ =	shalt  }
0x43: {  	_ =	shalt  }
0x44: {  	_ =	shalt  }
0x45: {  	_ =	shalt  }
0x46: {  	_ =	shalt  }
0x47: {  	_ =	shalt  }
0x48: {  	_ =	shalt  }
0x49: {  	_ =	shalt  }
0x4a: {  	_ =	shalt  }
0x4b: {  	_ =	shalt  }
0x4c: {  	_ =	shalt  }
0x4d: {  	_ =	shalt  }
0x4e: {  	_ =	shalt  }
0x4f: {  	_ =	shalt  }
0x50: {  	_ =	shalt  }
0x51: {  	_ =	shalt  }
0x52: {  	_ =	shalt  }
0x53: {  	_ =	shalt  }
0x54: {  	_ =	shalt  }
0x55: {  	_ =	shalt  }
0x56: {  	_ =	shalt  }
0x57: {  	_ =	shalt  }
0x58: {  	_ =	shalt  }
0x59: {  	_ =	shalt  }
0x5a: {  	_ =	shalt  }
0x5b: {  	_ =	shalt  }
0x5c: {  	_ =	shalt  }
0x5d: {  	_ =	shalt  }
0x5e: {  	_ =	shalt  }
0x5f: {  	_ =	shalt  }
0x60: {  	_ =	shalt  }
0x61: {  	_ =	shalt  }
0x62: {  	_ =	shalt  }
0x63: {  	_ =	shalt  }
0x64: {  	_ =	shalt  }
0x65: {  	_ =	shalt  }
0x66: {  	_ =	shalt  }
0x67: {  	_ =	shalt  }
0x68: {  	_ =	shalt  }
0x69: {  	_ =	shalt  }
0x6a: {  	_ =	shalt  }
0x6b: {  	_ =	shalt  }
0x6c: {  	_ =	shalt  }
0x6d: {  	_ =	shalt  }
0x6e: {  	_ =	shalt  }
0x6f: {  	_ =	shalt  }
0x70: {  	_ =	shalt  }
0x71: {  	_ =	shalt  }
0x72: {  	_ =	shalt  }
0x73: {  	_ =	shalt  }
0x74: {  	_ =	shalt  }
0x75: {  	_ =	shalt  }
0x76: {  	_ =	shalt  }
0x77: {  	_ =	shalt  }
0x78: {  	_ =	shalt  }
0x79: {  	_ =	shalt  }
0x7a: {  	_ =	shalt  }
0x7b: {  	_ =	shalt  }
0x7c: {  	_ =	shalt  }
0x7d: {  	_ =	shalt  }
0x7e: {  	_ =	shalt  }
0x7f: {  	_ =	shalt  }
0x80: {  	_ =	shalt  }
0x81: {  	_ =	shalt  }
0x82: {  	_ =	shalt  }
0x83: {  	_ =	shalt  }
0x84: {  	_ =	shalt  }
0x85: {  	_ =	shalt  }
0x86: {  	_ =	shalt  }
0x87: {  	_ =	shalt  }
.Lfunc_end0:
.L_simem_size_0:
called_computation.1_lowered:
.L_overlay_start_0:
0x88: {  	s2 =	sld [smem:$0x3FD9]  }
0x89: {  	s3 =	sld [smem:$0x3FFE];
	_ =	sdelay $0x1  }
0x8a: {  	s1 =	srdreg.scid  }
0x8b: {  	s0 =	sand.u32 $0x1, s1  }
0x8c: {  	s17 =	sshll.u32 s0, $0xA;
	s2 =	sadd.s32 s3, s2  }
0x8d: {  	s2 =	sadd.s32 s2, s17  }
0x8e: {  	[smem:$0x3FB8] =	sst s2  }
0x8f: {  	_ = 	snop  }
0x90: {  	s2 =	sld [smem:$0x3FD0];
	(tm) =	ssettm $0x1  }
0x91: {  	s18 =	sld [smem:$0x3FFB];
	_ =	sdelay $0x3  }
0x92: {  	_ =	strace s18  }
0x93: {  	s3 =	sld [smem:$0x3FFC];
	_ =	sdelay $0x3  }
0x94: {  	_ =	strace s3  }
0x95: {  	s3 =	sld [smem:$0x3FFD];
	_ =	sdelay $0x3  }
0x96: {  	_ =	strace s3  }
0x97: {  	_ =	strace $0x8FFFFFFF  }
0x98: {  	s19 =	sld [smem:$0x3FDB];
	_ =	sdelay $0x1  }
0x99: {  	s4 =	simm.s32 $_scs_section_size  }
0x9a: {  	s5 =	simm.s32 $_size__tile_overlayer_lowered;
	s6 =	simm.s32 $_tile_overlayer_lowered  }
0x9b: {  	s22 =	simm.s32 $0x1BFF;
	s21 =	sshll.u32 s6, $0x1;
	s3 =	sadd.s32 s4, s19  }
0x9c: {  	s7 =	simm.s32 $0x0;
	s20 =	sshll.u32 s5, $0x1;
	s5 =	sadd.s32 s21, s3  }
0x9d: {  	[timem:s7], [sflag:s22] =	dma.local [hbm:s5], s20  }
0x9e: {  	_ =	swait.ge [sflag:s22], s20  }
0x9f: {  	s4 =	ssub.s32 $0x0, s20;
	[sflag:s22] =	ssyncset.done $0x0  }
0xa0: {  	[sflag:s22] =	ssyncadd.s32 s4;
	_ =	sdelay $0x1  }
0xa1: {  	s23 =	simm.s32 $0x1B8B  }
0xa2: {  	_ =	swait.ge [sflag:s23], $0x1  }
0xa3: {  	[sflag:s23] =	ssyncset.done $0x0  }
0xa4: {  	s25 =	simm.s32 $0x1B8E;
	s24 =	sld [smem:$0x3FFE];
	[sflag:s23] =	ssyncadd.s32 $0xFFFFFFFF  }
0xa5: {  	s26 =	simm.s32 $execute0_lowered;
	[smem:$0x3FD2] =	sst s25  }
0xa6: {  	s5 =	sshll.u32 s26, $0x1;
	_ =	strace $0x80000049;
	[dreg:$0x1] =	wrdreg $0xFFFFFFFF  }
0xa7: {  	s28 =	simm.s32 $_size_execute0_lowered;
	s3 =	sadd.s32 s3, s5;
	[dreg:$0x0] =	wrdreg $0x0  }
0xa8: {  	s5 =	sshll.u32 s28, $0x1;
	[dreg:$0x2] =	wrdreg s3  }
0xa9: {  	[dreg:$0x3] =	wrdreg s5  }
0xaa: {  	[dreg:$0x4] =	wrdreg $0xC0  }
0xab: {  	_ =	task [dreg:s7], $0x5FFFF  }
0xac: {  	[dreg:$0x1] =	wrdreg $0xFFFFFFFF  }
0xad: {  	[dreg:$0x0] =	wrdreg $0x60  }
0xae: {  	[dreg:$0x2] =	wrdreg s2  }
0xaf: {  	[dreg:$0x3] =	wrdreg s24  }
0xb0: {  	[dreg:$0x4] =	wrdreg $0x15C400  }
0xb1: {  	[dreg:$0x5] =	wrdreg $0x9  }
0xb2: {  	_ =	task.clear_ibuf [dreg:s7], $0x6FFFF;
	_ =	strace $0x90000049  }
0xb3: {  	s29 =	simm.s32 $0x9;
	_ =	strace $0x8000004B  }
0xb4: {  	_ =	swait.ge [sflag:s29], $0x1  }
0xb5: {  	[sflag:s29] =	ssyncadd.s32 $0xFFFFFFFF  }
0xb6: {  	_ =	strace $0x9000004B  }
0xb7: {  	_ =	sfence  }
0xb8: {  	s30 =	sld [smem:$0x0];
	_ =	sdelay $0x2  }
0xb9: {  	s31 =	sshll.u32 s1, $0xD;
	s1 =	sshrl.u32 s1, $0x2  }
0xba: {  	s3 =	sand.u32 $0x4000, s31;
	s1 =	sadd.s32 s1, s30  }
0xbb: {  	s0 =	sor.u32 s3, s0;
	s1 =	sshll.u32 s1, $0x11  }
0xbc: {  	s0 =	sor.u32 s1, s0  }
0xbd: {  	s0 =	sadd.s32 $0x8F2B, s0  }
0xbe: {  	[sflag:s0] =	ssyncadd.remote.s32 $0x1  }
0xbf: {  	_ =	sfence.sel $0xFFFF  }
0xc0: {  	[dreg:$0x0] =	wrdreg $0xFFFFFFFF;
	(pc) =	sbr.abs _section_cstart, $3  }
0xc1: {  	[dreg:$0x1] =	wrdreg $0xFFFFFFFF  }
0xc2: {  	_ =	task.clear_ibuf [dreg:s7], $0x2FFFF;
	_ =	strace $0x9FFFFFFF  }
0xc3: {  	(tm) =	ssettm $0x7FFFFFFF  }
tec
execute0_lowered:
.L_overlay_start_1:
0x0: {  	(tag) =	ssettag $0x1  }
0x1: {  	s0 =	rddreg [dreg:$0x0]  }
0x2: {  	s1 =	rddreg [dreg:$0x1]  }
0x3: {  	s2 =	rddreg [dreg:$0x2];
	s3 =	simm.s32 $0x0;
	s10 =	stileid.u32  }
0x4: {  	s4 =	srdreg.scid;
	s14 =	simm.s32 $0xD;
	s28 =	simm.s32 $0x2  }
0x5: {  	s31 =	simm.s32 $0x13C40;
	s30 =	simm.s32 $0x8;
	s5 =	smul.u32 $0x9C4, s10  }
0x6: {  	s29 =	simm.s32 $0x6;
	[smem:$0x7FF] =	sst s3;
	s9 =	smul.u32 $0x28000, s10  }
0x7: {  	s4 =	sand.u32 $0x1, s4;
	s11 =	sadd.s32 $0x16000, s1;
	s18 =	smul.u32 $0xA000, s10  }
0x8: {  	_ =	strace $0x8000004A;
	s6 =	smul.u32 $0x14000, s4;
	s7 =	ssub.s32 $0x2, s4  }
0x9: {  	[dreg:$0x4] =	wrdreg s11;
	s4 =	smul.u32 $0x13880, s4;
	s5 =	sadd.s32 s5, s1  }
0xa: {  	s8 =	sshrl.u32 s7, $0x1;
	s19 =	sshrl.u32 s9, $0x2;
	s25 =	sshrl.u32 s18, $0x3  }
0xb: {  	s9 =	simm.s32 $0x0;
	s1 =	sadd.s32 s6, s1;
	s16 =	ssub.s32 s7, s8  }
0xc: {  	s17 =	sadd.s32 $0xC200, s5;
	s5 =	sadd.s32 $0x2400, s5;
	s20 =	sadd.s32 s19, s2  }
0xd: {  	s7 =	sadd.s32 s18, s2;
	s12 =	sadd.s32 s0, s4;
	s18 =	simm.s32 $0xBC40  }
0xe: {  	s19 =	simm.s32 $0x7;
	s4 =	simm.s32 $0xA;
	[dreg:$0x5] =	wrdreg s17  }
0xf: {  	s6 =	simm.s32 $0xC;
	[dreg:$0x6] =	wrdreg s5;
	s21 =	sadd.s32 $0x2000, s20  }
0x10: {  	s22 =	sadd.s32 $0x4000, s20;
	s23 =	sadd.s32 $0x6000, s20;
	[dreg:$0x7] =	wrdreg s21  }
0x11: {  	s5 =	sadd.s32 $0x8000, s20;
	s24 =	sadd.s32 $0x16400, s1;
	[dreg:$0x8] =	wrdreg s22  }
0x12: {  	s26 =	smax.u32 s16, $0x1;
	s16 =	simm.s32 $0x9C40;
	[dreg:$0x9] =	wrdreg s23  }
.Ltmp0:
0x13: {  	s17 =	simm.s32 $0x80;
	[dreg:$0xa] =	wrdreg s5;
	(pc) =	sbr.rel .LBB2_1-.Ltmp0, $4  }
0x14: {  	s20 =	simm.s32 $0xDC40;
	s1 =	simm.s32 $0x9;
	[dreg:$0xb] =	wrdreg s26  }
0x15: {  	s22 =	simm.s32 $0xFC40;
	s23 =	simm.s32 $0x1;
	s0 =	sadd.s32 s25, s24  }
0x16: {  	s26 =	simm.s32 $0x11C40;
	s25 =	simm.s32 $0x4;
	s21 =	simm.s32 $0x5  }
0x17: {  	s5 =	simm.s32 $0xB;
	[dreg:$0xc] =	wrdreg s0;
	s0 =	simm.s32 $0x3  }
.LBB2_4:
0x18: {  	_ =	swait.ge [sflag:s29], $0x2000  }
0x19: {  	[sflag:s29] =	ssyncset.done $0x0  }
0x1a: {  	[sflag:s29] =	ssyncadd.s32 $0xFFFFE000  }
0x1b: {  	[spmem:s2] =	stream.indirect.scatter.add.f32 [tilespmem:s31], [sflag:$0xC], $0x40, s15, s17, $0xb8;
	[tilespmem:$0x1FC40] =	vst v63  }
0x1c: {  	_ =	swait.ge [sflag:s19], $0x2000  }
0x1d: {  	[sflag:s19] =	ssyncset.done $0x0  }
0x1e: {  	[sflag:s19] =	ssyncadd.s32 $0xFFFFE000  }
0x1f: {  	_ =	swait.ge [sflag:s30], $0x2000  }
0x20: {  	[sflag:s30] =	ssyncset.done $0x0  }
0x21: {  	[sflag:s30] =	ssyncadd.s32 $0xFFFFE000  }
0x22: {  	_ =	swait.ge [sflag:s1], $0x2000  }
0x23: {  	[sflag:s1] =	ssyncset.done $0x0  }
0x24: {  	[sflag:s1] =	ssyncadd.s32 $0xFFFFE000  }
0x25: {  	_ =	swait.ge [sflag:s4], $0x2000  }
0x26: {  	[sflag:s4] =	ssyncset.done $0x0  }
0x27: {  	[sflag:s4] =	ssyncadd.s32 $0xFFFFE000  }
0x28: {  	_ =	swait.ge [sflag:s5], $0x2000  }
0x29: {  	[sflag:s5] =	ssyncset.done $0x0  }
0x2a: {  	[sflag:s5] =	ssyncadd.s32 $0xFFFFE000  }
0x2b: {  	_ =	swait.ge [sflag:s6], $0x2000  }
0x2c: {  	[sflag:s6] =	ssyncset.done $0x0  }
0x2d: {  	s8 =	simm.s32 $0x20;
	s10 =	simm.s32 $0x4E00;
	[sflag:s6] =	ssyncadd.s32 $0xFFFFE000  }
0x2e: {  	[tilespmem:s16], [sflag:$0x1] =	stream.indirect.gather [hbm4b:s12+s8], $0x40, s10, s8, $0xb8;
	[tilespmem:$0x1FC40] =	vst v63  }
0x2f: {  	_ =	swait.ge [sflag:s23], $0x800  }
0x30: {  	[sflag:s23] =	ssyncset.done $0x0  }
0x31: {  	s11 =	simm.s32 $0x9C20;
	[sflag:s23] =	ssyncadd.s32 $0xFFFFF800  }
0x32: {  	[spmem:s2] =	stream.indirect.scatter.add.f32 [tilespmem:s16], [sflag:$0xD], $0x40, s11, s8, $0xb8;
	[tilespmem:$0x1FC40] =	vst v63  }
0x33: {  	_ =	swait.ge [sflag:s14], $0x800  }
0x34: {  	[sflag:s14] =	ssyncset.done $0x0  }
0x35: {  	s13 =	stileid.u32;
	[sflag:s14] =	ssyncadd.s32 $0xFFFFF800  }
0x36: {  	s8 =	sshll.u32 s13, $0x6;
	[bflag:$0x0] =	sbarrier.arrive $0xFFFF  }
0x37: {  	s15 =	sshrl.u32 s7, $0x3;
	s8 =	sor.u32 $0x1C0D, s8;
	s11 =	rddreg [dreg:$0xc]  }
0x38: {  	[hbm:s11], [sflag:s8] =	dma.local [spmem:s15], $0x1400  }
0x39: {  	_ =	swait.ge [sflag:s14], $0x1400  }
0x3a: {  	s9 =	sadd.s32 $0x1, s9;
	s24 =	rddreg [dreg:$0xb]  }
0x3b: {  	p0 =	sne.s32 s9, s24  }
.Ltmp1:
0x3c: {  	_ = 	snop;
	(pc) =	sbr.rel @!p0 .LBB2_5-.Ltmp1, $3  }
0x3d: {  	_ =	sdelay $0x1  }
0x3e: {  	[sflag:s14] =	ssyncset.done $0x0  }
0x3f: {  	[sflag:s14] =	ssyncadd.s32 $0xFFFFEC00  }
.LBB2_1:
0x40: {  	s8 =	rddreg [dreg:$0x5]  }
0x41: {  	[tilespmem:s3], [sflag:$0xD] =	stream.linear.gather [hbm4b:s8+s3], $0x4E20, $0x38;
	[tilespmem:$0x1FC40] =	vst v63  }
0x42: {  	_ =	swait.ge [sflag:s14], $0x4E20  }
0x43: {  	[sflag:s14] =	ssyncset.done $0x0  }
0x44: {  	s10 =	simm.s32 $0x4E20;
	s24 =	rddreg [dreg:$0x6];
	[sflag:s14] =	ssyncadd.s32 $0xFFFFB1E0  }
0x45: {  	[tilespmem:s10], [sflag:$0xD] =	stream.linear.gather [hbm4b:s24+s3], $0x4E20, $0x38;
	[tilespmem:$0x1FC40] =	vst v63  }
0x46: {  	_ =	swait.ge [sflag:s14], $0x4E20  }
0x47: {  	[sflag:s14] =	ssyncset.done $0x0  }
0x48: {  	s11 =	rddreg [dreg:$0x4];
	[sflag:s14] =	ssyncadd.s32 $0xFFFFB1E0  }
0x49: {  	[tilespmem:s16], [sflag:$0xD] =	stream.linear.gather [hbm4b:s11+s3], $0x2000, $0x38;
	[tilespmem:$0x1FC40] =	vst v63  }
0x4a: {  	_ =	swait.ge [sflag:s14], $0x2000  }
0x4b: {  	[sflag:s14] =	ssyncset.done $0x0  }
0x4c: {  	[sflag:s14] =	ssyncadd.s32 $0xFFFFE000  }
0x4d: {  	[spmem:s7] =	stream.linear.scatter [tilespmem:s16], [sflag:$0xD], $0x2000, $0x38;
	[tilespmem:$0x1FC40] =	vst v63  }
0x4e: {  	_ =	swait.ge [sflag:s14], $0x2000  }
0x4f: {  	[sflag:s14] =	ssyncset.done $0x0  }
0x50: {  	s13 =	rddreg [dreg:$0x7];
	[sflag:s14] =	ssyncadd.s32 $0xFFFFE000  }
0x51: {  	[spmem:s13] =	stream.linear.scatter [tilespmem:s16], [sflag:$0xD], $0x2000, $0x38;
	[tilespmem:$0x1FC40] =	vst v63  }
0x52: {  	_ =	swait.ge [sflag:s14], $0x2000  }
0x53: {  	[sflag:s14] =	ssyncset.done $0x0  }
0x54: {  	s15 =	rddreg [dreg:$0x8];
	[sflag:s14] =	ssyncadd.s32 $0xFFFFE000  }
0x55: {  	[spmem:s15] =	stream.linear.scatter [tilespmem:s16], [sflag:$0xD], $0x2000, $0x38;
	[tilespmem:$0x1FC40] =	vst v63  }
0x56: {  	_ =	swait.ge [sflag:s14], $0x2000  }
0x57: {  	[sflag:s14] =	ssyncset.done $0x0  }
0x58: {  	s24 =	rddreg [dreg:$0x9];
	[sflag:s14] =	ssyncadd.s32 $0xFFFFE000  }
0x59: {  	[spmem:s24] =	stream.linear.scatter [tilespmem:s16], [sflag:$0xD], $0x2000, $0x38;
	[tilespmem:$0x1FC40] =	vst v63  }
0x5a: {  	_ =	swait.ge [sflag:s14], $0x2000  }
0x5b: {  	[sflag:s14] =	ssyncset.done $0x0  }
0x5c: {  	s11 =	rddreg [dreg:$0xa];
	[sflag:s14] =	ssyncadd.s32 $0xFFFFE000  }
0x5d: {  	[spmem:s11] =	stream.linear.scatter [tilespmem:s16], [sflag:$0xD], $0x2000, $0x38;
	[tilespmem:$0x1FC40] =	vst v63  }
0x5e: {  	_ =	swait.ge [sflag:s14], $0x2000  }
0x5f: {  	[sflag:s14] =	ssyncset.done $0x0  }
0x60: {  	[sflag:s14] =	ssyncadd.s32 $0xFFFFE000  }
0x61: {  	[bflag:$0x0] =	sbarrier.arrive $0xFFFF  }
0x62: {  	[tilespmem:s16], [sflag:$0x1] =	stream.indirect.gather [hbm4b:s12+s17], $0x40, s3, s17, $0xb8;
	[tilespmem:$0x1FC40] =	vst v63  }
0x63: {  	_ = 	snop  }
0x64: {  	[tilespmem:s18], [sflag:$0x2] =	stream.indirect.gather [hbm4b:s12+s17], $0x40, s17, s17, $0xb8;
	[tilespmem:$0x1FC40] =	vst v63  }
0x65: {  	s13 =	simm.s32 $0x100  }
0x66: {  	[tilespmem:s20], [sflag:$0x3] =	stream.indirect.gather [hbm4b:s12+s17], $0x40, s13, s17, $0xb8;
	[tilespmem:$0x1FC40] =	vst v63  }
0x67: {  	s15 =	simm.s32 $0x180  }
0x68: {  	[tilespmem:s22], [sflag:$0x4] =	stream.indirect.gather [hbm4b:s12+s17], $0x40, s15, s17, $0xb8;
	[tilespmem:$0x1FC40] =	vst v63  }
0x69: {  	_ =	swait.ge [sflag:s23], $0x2000  }
0x6a: {  	[sflag:s23] =	ssyncset.done $0x0  }
0x6b: {  	[sflag:s23] =	ssyncadd.s32 $0xFFFFE000  }
0x6c: {  	[spmem:s2] =	stream.indirect.scatter.add.f32 [tilespmem:s16], [sflag:$0x7], $0x40, s10, s17, $0xb8;
	[tilespmem:$0x1FC40] =	vst v63  }
0x6d: {  	s24 =	simm.s32 $0x200  }
0x6e: {  	[tilespmem:s26], [sflag:$0x5] =	stream.indirect.gather [hbm4b:s12+s17], $0x40, s24, s17, $0xb8;
	[tilespmem:$0x1FC40] =	vst v63  }
0x6f: {  	_ =	swait.ge [sflag:s28], $0x2000  }
0x70: {  	[sflag:s28] =	ssyncset.done $0x0  }
0x71: {  	s10 =	simm.s32 $0x4EA0;
	[sflag:s28] =	ssyncadd.s32 $0xFFFFE000  }
0x72: {  	[spmem:s2] =	stream.indirect.scatter.add.f32 [tilespmem:s18], [sflag:$0x8], $0x40, s10, s17, $0xb8;
	[tilespmem:$0x1FC40] =	vst v63  }
0x73: {  	s11 =	simm.s32 $0x280  }
0x74: {  	[tilespmem:s31], [sflag:$0x6] =	stream.indirect.gather [hbm4b:s12+s17], $0x40, s11, s17, $0xb8;
	[tilespmem:$0x1FC40] =	vst v63  }
0x75: {  	_ =	swait.ge [sflag:s0], $0x2000  }
0x76: {  	[sflag:s0] =	ssyncset.done $0x0  }
0x77: {  	s13 =	simm.s32 $0x4F20;
	[sflag:s0] =	ssyncadd.s32 $0xFFFFE000  }
0x78: {  	[spmem:s2] =	stream.indirect.scatter.add.f32 [tilespmem:s20], [sflag:$0x9], $0x40, s13, s17, $0xb8;
	[tilespmem:$0x1FC40] =	vst v63  }
0x79: {  	_ =	swait.ge [sflag:s19], $0x2000  }
0x7a: {  	[sflag:s19] =	ssyncset.done $0x0  }
0x7b: {  	s15 =	simm.s32 $0x300;
	[sflag:s19] =	ssyncadd.s32 $0xFFFFE000  }
0x7c: {  	[tilespmem:s16], [sflag:$0x1] =	stream.indirect.gather [hbm4b:s12+s17], $0x40, s15, s17, $0xb8;
	[tilespmem:$0x1FC40] =	vst v63  }
0x7d: {  	_ =	swait.ge [sflag:s25], $0x2000  }
0x7e: {  	[sflag:s25] =	ssyncset.done $0x0  }
0x7f: {  	s24 =	simm.s32 $0x4FA0;
	[sflag:s25] =	ssyncadd.s32 $0xFFFFE000  }
0x80: {  	[spmem:s2] =	stream.indirect.scatter.add.f32 [tilespmem:s22], [sflag:$0xA], $0x40, s24, s17, $0xb8;
	[tilespmem:$0x1FC40] =	vst v63  }
0x81: {  	_ =	swait.ge [sflag:s30], $0x2000  }
0x82: {  	[sflag:s30] =	ssyncset.done $0x0  }
0x83: {  	s10 =	simm.s32 $0x380;
	[sflag:s30] =	ssyncadd.s32 $0xFFFFE000  }
0x84: {  	[tilespmem:s18], [sflag:$0x2] =	stream.indirect.gather [hbm4b:s12+s17], $0x40, s10, s17, $0xb8;
	[tilespmem:$0x1FC40] =	vst v63  }
0x85: {  	_ =	swait.ge [sflag:s21], $0x2000  }
0x86: {  	[sflag:s21] =	ssyncset.done $0x0  }
0x87: {  	s11 =	simm.s32 $0x5020;
	[sflag:s21] =	ssyncadd.s32 $0xFFFFE000  }
0x88: {  	[spmem:s2] =	stream.indirect.scatter.add.f32 [tilespmem:s26], [sflag:$0xB], $0x40, s11, s17, $0xb8;
	[tilespmem:$0x1FC40] =	vst v63  }
0x89: {  	_ =	swait.ge [sflag:s1], $0x2000  }
0x8a: {  	[sflag:s1] =	ssyncset.done $0x0  }
0x8b: {  	s13 =	simm.s32 $0x400;
	[sflag:s1] =	ssyncadd.s32 $0xFFFFE000  }
0x8c: {  	[tilespmem:s20], [sflag:$0x3] =	stream.indirect.gather [hbm4b:s12+s17], $0x40, s13, s17, $0xb8;
	[tilespmem:$0x1FC40] =	vst v63  }
0x8d: {  	_ =	swait.ge [sflag:s29], $0x2000  }
0x8e: {  	[sflag:s29] =	ssyncset.done $0x0  }
0x8f: {  	s15 =	simm.s32 $0x50A0;
	[sflag:s29] =	ssyncadd.s32 $0xFFFFE000  }
0x90: {  	[spmem:s2] =	stream.indirect.scatter.add.f32 [tilespmem:s31], [sflag:$0xC], $0x40, s15, s17, $0xb8;
	[tilespmem:$0x1FC40] =	vst v63  }
0x91: {  	_ =	swait.ge [sflag:s4], $0x2000  }
0x92: {  	[sflag:s4] =	ssyncset.done $0x0  }
0x93: {  	s24 =	simm.s32 $0x480;
	s10 =	simm.s32 $0x0;
	[sflag:s4] =	ssyncadd.s32 $0xFFFFE000  }
0x94: {  	[tilespmem:s22], [sflag:$0x4] =	stream.indirect.gather [hbm4b:s12+s17], $0x40, s24, s17, $0xb8;
	[tilespmem:$0x1FC40] =	vst v63  }
.LBB2_2:
0x95: {  	_ =	swait.ge [sflag:s23], $0x2000  }
0x96: {  	s11 =	sshra.s32 s10, $0x2;
	[sflag:s23] =	ssyncset.done $0x0  }
0x97: {  	s15 =	sadd.s32 $0x5120, s11;
	[sflag:s23] =	ssyncadd.s32 $0xFFFFE000  }
0x98: {  	[spmem:s2] =	stream.indirect.scatter.add.f32 [tilespmem:s16], [sflag:$0x7], $0x40, s15, s17, $0xb8;
	[tilespmem:$0x1FC40] =	vst v63  }
0x99: {  	_ =	swait.ge [sflag:s5], $0x2000  }
0x9a: {  	[sflag:s5] =	ssyncset.done $0x0  }
0x9b: {  	s13 =	sadd.s32 $0x500, s11;
	[sflag:s5] =	ssyncadd.s32 $0xFFFFE000  }
0x9c: {  	[tilespmem:s26], [sflag:$0x5] =	stream.indirect.gather [hbm4b:s12+s17], $0x40, s13, s17, $0xb8;
	[tilespmem:$0x1FC40] =	vst v63  }
0x9d: {  	_ =	swait.ge [sflag:s28], $0x2000  }
0x9e: {  	[sflag:s28] =	ssyncset.done $0x0  }
0x9f: {  	s24 =	sadd.s32 $0x51A0, s11;
	[sflag:s28] =	ssyncadd.s32 $0xFFFFE000  }
0xa0: {  	[spmem:s2] =	stream.indirect.scatter.add.f32 [tilespmem:s18], [sflag:$0x8], $0x40, s24, s17, $0xb8;
	[tilespmem:$0x1FC40] =	vst v63  }
0xa1: {  	_ =	swait.ge [sflag:s6], $0x2000  }
0xa2: {  	[sflag:s6] =	ssyncset.done $0x0  }
0xa3: {  	s8 =	sadd.s32 $0x580, s11;
	[sflag:s6] =	ssyncadd.s32 $0xFFFFE000  }
0xa4: {  	[tilespmem:s31], [sflag:$0x6] =	stream.indirect.gather [hbm4b:s12+s17], $0x40, s8, s17, $0xb8;
	[tilespmem:$0x1FC40] =	vst v63  }
0xa5: {  	_ =	swait.ge [sflag:s0], $0x2000  }
0xa6: {  	p0 =	seq.s32 s10, $0x12000;
	[sflag:s0] =	ssyncset.done $0x0  }
0xa7: {  	s15 =	simm.s32 @p0 $0x4;
	s13 =	sadd.s32 $0x5220, s11;
	[sflag:s0] =	ssyncadd.s32 $0xFFFFE000  }
0xa8: {  	[spmem:s2] =	stream.indirect.scatter.add.f32 [tilespmem:s20], [sflag:$0x9], $0x40, s13, s17, $0xb8;
	[tilespmem:$0x1FC40] =	vst v63  }
0xa9: {  	_ =	swait.ge @p0 [sflag:s15], $0x2000  }
0xaa: {  	[sflag:s15] =	ssyncset.done @p0 $0x0  }
0xab: {  	[sflag:s15] =	ssyncadd.s32 @p0 $0xFFFFE000;
	s15 =	sshra.s32 @p0 s10, $0x2  }
0xac: {  	s24 =	simm.s32 @p0 $0xFC40;
	s13 =	simm.s32 @p0 $0x80;
	s15 =	sadd.s32 @p0 $0x52A0, s15  }
0xad: {  	[spmem:s2] =	stream.indirect.scatter.add.f32 @p0 [tilespmem:s24], [sflag:$0xA], $0x40, s15, s13, $0xb8;
	[tilespmem:$0x1FC40] =	vst v63  }
0xae: {  	s13 =	simm.s32 @!p0 $0x7  }
0xaf: {  	_ =	swait.ge @!p0 [sflag:s13], $0x2000  }
0xb0: {  	[sflag:s13] =	ssyncset.done @!p0 $0x0  }
0xb1: {  	[sflag:s13] =	ssyncadd.s32 @!p0 $0xFFFFE000;
	s13 =	sshra.s32 @!p0 s10, $0x2  }
0xb2: {  	s8 =	simm.s32 @!p0 $0x9C40;
	s24 =	simm.s32 @!p0 $0x80;
	s15 =	sadd.s32 @!p0 $0x600, s13  }
0xb3: {  	[tilespmem:s8], [sflag:$0x1] =	stream.indirect.gather @!p0 [hbm4b:s12+s24], $0x40, s15, s24, $0xb8;
	[tilespmem:$0x1FC40] =	vst v63  }
0xb4: {  	s8 =	simm.s32 @!p0 $0x4  }
0xb5: {  	_ =	swait.ge @!p0 [sflag:s8], $0x2000  }
0xb6: {  	[sflag:s8] =	ssyncset.done @!p0 $0x0  }
0xb7: {  	s15 =	simm.s32 @!p0 $0xFC40;
	[sflag:s8] =	ssyncadd.s32 @!p0 $0xFFFFE000;
	s8 =	sadd.s32 @!p0 $0x52A0, s13  }
0xb8: {  	[spmem:s2] =	stream.indirect.scatter.add.f32 @!p0 [tilespmem:s15], [sflag:$0xA], $0x40, s8, s24, $0xb8;
	[tilespmem:$0x1FC40] =	vst v63  }
0xb9: {  	s8 =	simm.s32 @!p0 $0x8  }
0xba: {  	_ =	swait.ge @!p0 [sflag:s8], $0x2000  }
0xbb: {  	[sflag:s8] =	ssyncset.done @!p0 $0x0  }
0xbc: {  	[sflag:s8] =	ssyncadd.s32 @!p0 $0xFFFFE000;
	s8 =	sadd.s32 @!p0 $0x680, s13;
	s13 =	simm.s32 @!p0 $0xBC40  }
0xbd: {  	[tilespmem:s13], [sflag:$0x2] =	stream.indirect.gather @!p0 [hbm4b:s12+s24], $0x40, s8, s24, $0xb8;
	[tilespmem:$0x1FC40] =	vst v63  }
.Ltmp2:
0xbe: {  	_ = 	snop;
	(pc) =	sbr.rel @p0 .LBB2_4-.Ltmp2, $4  }
0xbf: {  	_ =	swait.ge [sflag:s21], $0x2000  }
0xc0: {  	[sflag:s21] =	ssyncset.done $0x0  }
0xc1: {  	s15 =	sadd.s32 $0x53A0, s11;
	s24 =	sadd.s32 $0x5320, s11;
	[sflag:s21] =	ssyncadd.s32 $0xFFFFE000  }
0xc2: {  	[spmem:s2] =	stream.indirect.scatter.add.f32 [tilespmem:s26], [sflag:$0xB], $0x40, s24, s17, $0xb8;
	[tilespmem:$0x1FC40] =	vst v63  }
0xc3: {  	_ =	swait.ge [sflag:s1], $0x2000  }
0xc4: {  	[sflag:s1] =	ssyncset.done $0x0  }
0xc5: {  	s8 =	sadd.s32 $0x700, s11;
	[sflag:s1] =	ssyncadd.s32 $0xFFFFE000  }
0xc6: {  	[tilespmem:s20], [sflag:$0x3] =	stream.indirect.gather [hbm4b:s12+s17], $0x40, s8, s17, $0xb8;
	[tilespmem:$0x1FC40] =	vst v63  }
0xc7: {  	_ =	swait.ge [sflag:s29], $0x2000  }
0xc8: {  	[sflag:s29] =	ssyncset.done $0x0  }
0xc9: {  	[sflag:s29] =	ssyncadd.s32 $0xFFFFE000  }
0xca: {  	[spmem:s2] =	stream.indirect.scatter.add.f32 [tilespmem:s31], [sflag:$0xC], $0x40, s15, s17, $0xb8;
	[tilespmem:$0x1FC40] =	vst v63  }
.Ltmp3:
0xcb: {  	_ = 	snop;
	(pc) =	sbr.rel .LBB2_2-.Ltmp3, $4  }
0xcc: {  	_ =	swait.ge [sflag:s4], $0x2000  }
0xcd: {  	[sflag:s4] =	ssyncset.done $0x0  }
0xce: {  	s24 =	sadd.s32 $0x780, s11;
	s10 =	sadd.s32 $0xC00, s10;
	[sflag:s4] =	ssyncadd.s32 $0xFFFFE000  }
0xcf: {  	[tilespmem:s22], [sflag:$0x4] =	stream.indirect.gather [hbm4b:s12+s17], $0x40, s24, s17, $0xb8;
	[tilespmem:$0x1FC40] =	vst v63  }
.LBB2_5:
0xd0: {  	_ =	sfence.sel $0x180000  }
0xd1: {  	[bflag:$0x0] =	sbarrier.arrive $0xFFFF  }
0xd2: {  	_ =	strace $0x9000004A  }
0xd3: {  	s0 =	stileid.u32;
	[bflag:$0x2] =	sbarrier.arrive $0xFFFF  }
0xd4: {  	p0 =	sne.s32 s0, $0x0;
	s0 =	rddreg [dreg:$0x3]  }
0xd5: {  	s0 =	sadd.s32 @!p0 $0x100000, s0  }
0xd6: {  	[sflag:s0] =	ssyncadd.tile.s32 @!p0 $0x1;
	_ =	shalt  }
.Lfunc_end2:
_tile_overlayer_lowered:
.L_overlay_start_2:
0xd7: {  	(tag) =	ssettag $0x2  }
0xd8: {  	s0 =	rddreg [dreg:$0x0];
	s2 =	stileid.u32  }
0xd9: {  	s1 =	rddreg [dreg:$0x1];
	p0 =	sne.s32 s2, $0x0  }
0xda: {  	s3 =	rddreg [dreg:$0x2];
	[bflag:$0x3] =	sbarrier.arrive $0xFFFF;
	s2 =	simm.s32 @!p0 $0x1C0D  }
0xdb: {  	[timem:s3], [sflag:s2] =	dma.local @!p0 [hbm:s0], s1  }
0xdc: {  	s0 =	simm.s32 @!p0 $0xD  }
0xdd: {  	_ =	swait.ge @!p0 [sflag:s0], s1  }
0xde: {  	s1 =	ssub.s32 @!p0 $0x0, s1;
	[sflag:s0] =	ssyncset.done @!p0 $0x0  }
0xdf: {  	[sflag:s0] =	ssyncadd.s32 @!p0 s1  }
0xe0: {  	[bflag:$0x3] =	sbarrier.arrive $0xFFFF  }
0xe1: {  	_ =	shalt  }

</sc_bundles>
